<compile_context>
chip_gen: v7x
topology: tpu7x:2x2x1
jax: 0.10.2.dev20260603
libtpu: 0.0.44.dev20260713+nightly
codegen_flags: <defaults>
</compile_context>

<pallas_src>
import functools

import jax
import jax.numpy as jnp
from jax import lax
from jax.experimental import pallas as pl
from jax.experimental.pallas import tpu as pltpu
from jax.experimental.pallas import tpu_sc as plsc

_LOG_2PI = 1.8378770664093453


def _sc_gather(times, mean_t, std_t, b, d, n_times):
    info = plsc.get_sparse_core_info()
    nw = info.num_cores * info.num_subcores
    fpw = d // nw
    q = 4096
    nq = b // q

    mesh = plsc.VectorSubcoreMesh(core_axis_name="c", subcore_axis_name="s")

    @functools.partial(
        pl.kernel,
        mesh=mesh,
        out_type=[
            jax.ShapeDtypeStruct((d, b), jnp.float32),
            jax.ShapeDtypeStruct((d, b), jnp.float32),
        ],
        scratch_types=[
            pltpu.VMEM((n_times,), jnp.float32),
            pltpu.VMEM((b,), jnp.int32),
            pltpu.VMEM((2, q), jnp.float32),
            pltpu.SemaphoreType.DMA,
            pltpu.SemaphoreType.DMA,
            pltpu.SemaphoreType.DMA,
        ],
        compiler_params=pltpu.CompilerParams(
            use_tc_tiling_on_sc=True,
            needs_layout_passes=False,
        ),
    )
    def run(times_hbm, mean_hbm, std_hbm, mu_out, sd_out,
            col_v, idx_v, st_v, csem, wsem0, wsem1):
        wid = lax.axis_index("s") * info.num_cores + lax.axis_index("c")
        passes = [(mean_hbm, mu_out, 0), (std_hbm, sd_out, 0),
                  (mean_hbm, mu_out, 1), (std_hbm, sd_out, 1)]
        wsems = [wsem0, wsem1]
        wr = [None, None]

        cp = pltpu.async_copy(mean_hbm.at[wid * fpw], col_v, csem)
        pltpu.sync_copy(times_hbm, idx_v)
        for p, (tbl, out, fi) in enumerate(passes):
            f = wid * fpw + fi
            cp.wait()
            for k in range(nq):
                sl = k & 1
                if wr[sl] is not None:
                    wr[sl].wait()

                @plsc.parallel_loop(0, q, 16, unroll=8)
                def _(i):
                    iv = idx_v[pl.ds(k * q + i, 16)]
                    st_v[sl, pl.ds(i, 16)] = plsc.load_gather(col_v, [iv])

                if k == nq - 1 and p + 1 < len(passes):
                    tbl2, _out2, fi2 = passes[p + 1]
                    cp = pltpu.async_copy(
                        tbl2.at[wid * fpw + fi2], col_v, csem)
                wr[sl] = pltpu.async_copy(
                    st_v.at[sl], out.at[f, pl.ds(k * q, q)], wsems[sl])
        wr[0].wait()
        wr[1].wait()

    return run(times, mean_t, std_t)


def _tc_log_prob(states_t, mu_g, sd_g, b, d):
    blk = 4096
    grid = b // blk

    def body(st_ref, mu_ref, sd_ref, out_ref):
        s = st_ref[...]
        m = mu_ref[...]
        sig = jnp.maximum(sd_ref[...], 0.01)
        t = (s - m) / sig
        lp = -0.5 * (t * t) - jnp.log(sig)
        out_ref[0, 0, :] = jnp.sum(lp, axis=0) - (d * 0.5) * _LOG_2PI

    out = pl.pallas_call(
        body,
        grid=(grid,),
        in_specs=[
            pl.BlockSpec((d, blk), lambda i: (0, i)),
            pl.BlockSpec((d, blk), lambda i: (0, i)),
            pl.BlockSpec((d, blk), lambda i: (0, i)),
        ],
        out_specs=pl.BlockSpec((1, 1, blk), lambda i: (i, 0, 0)),
        out_shape=jax.ShapeDtypeStruct((grid, 1, blk), jnp.float32),
    )(states_t, mu_g, sd_g)
    return out.reshape(b)


def kernel(states, times, mean_params, std_params):
    b, d = states.shape
    n_times = mean_params.shape[0]
    times = times.reshape(-1).astype(jnp.int32)
    mu_g, sd_g = _sc_gather(times, mean_params.T, std_params.T, b, d, n_times)
    return _tc_log_prob(states.T, mu_g, sd_g, b, d)

# --- scband reference (transcript-rebuilt; emitter-appended) ---
"""Pipeline reference for scband-temporal-distribution-45981919871629 (READ-ONLY COPY).

The authoritative reference and input builder live on the scoring server;
editing this copy changes nothing except your own understanding.
"""

import jax, jax.numpy as jnp
import numpy as np

PERIOD_LENGTH = 100000
NUM_STATE = 64
BATCH = 16384


def setup_inputs(seed: int = 0) -> dict:
    key = jax.random.key(seed)
    k1, k2, k3, k4 = jax.random.split(key, 4)
    states = jax.random.normal(k1, (BATCH, NUM_STATE), dtype=jnp.float32)
    times = jax.random.randint(k2, (BATCH,), 0, PERIOD_LENGTH, dtype=jnp.int64 if jax.config.jax_enable_x64 else jnp.int32)
    # learned parameters (nn.Parameter in the torch module)
    mean_params = jax.random.normal(k3, (PERIOD_LENGTH, NUM_STATE), dtype=jnp.float32) * 0.1
    std_params = jnp.abs(jax.random.normal(k4, (PERIOD_LENGTH, NUM_STATE), dtype=jnp.float32)) + 0.5
    return {"states": states, "times": times, "mean_params": mean_params, "std_params": std_params}


def reference(states, times, mean_params, std_params):
    # get_states_log_prob(states, times):
    #   times = times.reshape(-1)
    #   std_params.clamp_(min=0.01)
    #   dist = Normal(mean_params[times], std_params[times])
    #   return dist.log_prob(states).sum(dim=-1)
    times = times.reshape(-1)
    std_clamped = jnp.maximum(std_params, 0.01)
    mu = jnp.take(mean_params, times, axis=0)
    sigma = jnp.take(std_clamped, times, axis=0)
    log_prob = -((states - mu) ** 2) / (2.0 * sigma ** 2) - jnp.log(sigma) - 0.5 * jnp.log(2.0 * jnp.pi)
    return log_prob.sum(axis=-1)

if __name__ == "__main__":
    import jax
    _d = setup_inputs()
    print(jax.jit(kernel)(*tuple(_d.values())))

</pallas_src>

<mosaic_0001>
#map = affine_map<(d0, d1) -> (0)>
#map1 = affine_map<(d0, d1) -> (0, 0)>
module attributes {stable_mosaic.version = 14 : i64} {
  func.func @run(%arg0: i32, %arg1: i32, %arg2: memref<16384xi32, #tpu.memory_space<hbm>>, %arg3: memref<64x100000xf32, #tpu.memory_space<hbm>>, %arg4: memref<64x100000xf32, #tpu.memory_space<hbm>>, %arg5: memref<64x16384xf32, #tpu.memory_space<hbm>>, %arg6: memref<64x16384xf32, #tpu.memory_space<hbm>>, %arg7: memref<100000xf32, #tpu.memory_space<vmem>>, %arg8: memref<16384xi32, #tpu.memory_space<vmem>>, %arg9: memref<2x4096xf32, #tpu.memory_space<vmem>>, %arg10: memref<!tpu.dma_semaphore, #tpu.memory_space<semaphore_mem>>, %arg11: memref<!tpu.dma_semaphore, #tpu.memory_space<semaphore_mem>>, %arg12: memref<!tpu.dma_semaphore, #tpu.memory_space<semaphore_mem>>) attributes {dimension_semantics = [#tpu.dimension_semantics<core_parallel>, #tpu.dimension_semantics<subcore_parallel>], iteration_bounds = array<i64: 2, 16>, scalar_prefetch = 0 : i64, scratch_operands = 6 : i64, tpu.core_type = #tpu.core_type<sc_vector_subcore>, window_params = [{transform_indices = #map}, {transform_indices = #map1}, {transform_indices = #map1}, {transform_indices = #map1}, {transform_indices = #map1}]} {
    %mul3A = arith.constant 2 : i32
    %mul3A_0 = arith.muli %arg1, %mul3A : i32
    %add3A = arith.addi %mul3A_0, %arg0 : i32
    %mul3A_1 = arith.constant 2 : i32
    %mul3A_2 = arith.muli %add3A, %mul3A_1 : i32
    %dma_start3A = arith.constant 0 : i32
    %dma_start3A_3 = tpu.memref_slice %arg3[%mul3A_2, %dma_start3A] : memref<64x100000xf32, #tpu.memory_space<hbm>> -> memref<1x100000xf32, #tpu.memory_space<hbm>>
    %dma_start3A_4 = tpu.memref_squeeze %dma_start3A_3 : memref<1x100000xf32, #tpu.memory_space<hbm>> -> memref<100000xf32, #tpu.memory_space<hbm>>
    %dma_start3A_5 = arith.constant 0 : i32
    %dma_start3A_6 = tpu.memref_slice %arg3[%mul3A_2, %dma_start3A_5] : memref<64x100000xf32, #tpu.memory_space<hbm>> -> memref<1x100000xf32, #tpu.memory_space<hbm>>
    %dma_start3A_7 = tpu.memref_squeeze %dma_start3A_6 : memref<1x100000xf32, #tpu.memory_space<hbm>> -> memref<100000xf32, #tpu.memory_space<hbm>>
    tpu.enqueue_dma source(%dma_start3A_7 : memref<100000xf32, #tpu.memory_space<hbm>>) target(%arg7 : memref<100000xf32, #tpu.memory_space<vmem>>) target_semaphore(%arg10 : memref<!tpu.dma_semaphore, #tpu.memory_space<semaphore_mem>>)
    "tpu.region"() ({
      %run_scoped3A = tpu.sem_alloc : memref<!tpu.dma_semaphore, #tpu.memory_space<semaphore_mem>>
      tpu.enqueue_dma source(%arg2 : memref<16384xi32, #tpu.memory_space<hbm>>) target(%arg8 : memref<16384xi32, #tpu.memory_space<vmem>>) target_semaphore(%run_scoped3A : memref<!tpu.dma_semaphore, #tpu.memory_space<semaphore_mem>>)
      tpu.wait_dma2 semaphore(%run_scoped3A : memref<!tpu.dma_semaphore, #tpu.memory_space<semaphore_mem>>) src(%arg2 : memref<16384xi32, #tpu.memory_space<hbm>>) dst(%arg8 : memref<16384xi32, #tpu.memory_space<vmem>>)
      tpu.yield
    }) : () -> ()
    %mul3A_8 = arith.constant 2 : i32
    %mul3A_9 = arith.muli %add3A, %mul3A_8 : i32
    %add3A_10 = arith.constant 0 : i32
    %add3A_11 = arith.addi %mul3A_9, %add3A_10 : i32
    %dma_wait3A = arith.constant 0 : i32
    %dma_wait3A_12 = tpu.memref_slice %arg3[%mul3A_2, %dma_wait3A] : memref<64x100000xf32, #tpu.memory_space<hbm>> -> memref<1x100000xf32, #tpu.memory_space<hbm>>
    %dma_wait3A_13 = tpu.memref_squeeze %dma_wait3A_12 : memref<1x100000xf32, #tpu.memory_space<hbm>> -> memref<100000xf32, #tpu.memory_space<hbm>>
    %dma_wait3A_14 = arith.constant 0 : i32
    %dma_wait3A_15 = tpu.memref_slice %arg3[%mul3A_2, %dma_wait3A_14] : memref<64x100000xf32, #tpu.memory_space<hbm>> -> memref<1x100000xf32, #tpu.memory_space<hbm>>
    %dma_wait3A_16 = tpu.memref_squeeze %dma_wait3A_15 : memref<1x100000xf32, #tpu.memory_space<hbm>> -> memref<100000xf32, #tpu.memory_space<hbm>>
    tpu.wait_dma2 semaphore(%arg10 : memref<!tpu.dma_semaphore, #tpu.memory_space<semaphore_mem>>) src(%dma_wait3A_16 : memref<100000xf32, #tpu.memory_space<hbm>>) dst(%arg7 : memref<100000xf32, #tpu.memory_space<vmem>>)
    %parallel_loop3A = arith.constant 0 : i32
    %parallel_loop3A_17 = arith.constant 4096 : i32
    %parallel_loop3A_18 = arith.constant 16 : i32
    scf.for %parallel_loop3A_540 = %parallel_loop3A to %parallel_loop3A_17 step %parallel_loop3A_18  : i32 {
      %parallel_loop3A_541 = arith.constant 0 : i32
      %parallel_loop3A_542 = arith.addi %parallel_loop3A_541, %parallel_loop3A_540 : i32
      %parallel_loop3A_543 = arith.index_cast %parallel_loop3A_542 : i32 to index
      %parallel_loop3A_544 = tpu.vector_load %arg8[%parallel_loop3A_543] {strides = array<i32>} : memref<16384xi32, #tpu.memory_space<vmem>>, vector<16xi32>,
      %parallel_loop3A_545 = tpu.vector_load_idx %arg7[%parallel_loop3A_544] : memref<100000xf32, #tpu.memory_space<vmem>>[vector<16xi32>], vector<16xf32>,
      %parallel_loop3A_546 = arith.constant 0 : i32
      %parallel_loop3A_547 = arith.index_cast %parallel_loop3A_546 : i32 to index
      %parallel_loop3A_548 = arith.index_cast %parallel_loop3A_540 : i32 to index
      %parallel_loop3A_549 = tpu.vector_load %arg9[%parallel_loop3A_547, %parallel_loop3A_548] {strides = array<i32>} : memref<2x4096xf32, #tpu.memory_space<vmem>>, vector<16xf32>,
      tpu.vector_store %arg9[%parallel_loop3A_547, %parallel_loop3A_548], %parallel_loop3A_545 {strides = array<i32>} : memref<2x4096xf32, #tpu.memory_space<vmem>>, vector<16xf32>,
    } {sc.loop_unroll_factor = 8 : i64, sc.parallel_access}
    %dma_start3A_19 = arith.constant 0 : i32
    %dma_start3A_20 = arith.constant 0 : i32
    %dma_start3A_21 = tpu.memref_slice %arg9[%dma_start3A_19, %dma_start3A_20] : memref<2x4096xf32, #tpu.memory_space<vmem>> -> memref<1x4096xf32, #tpu.memory_space<vmem>>
    %dma_start3A_22 = tpu.memref_squeeze %dma_start3A_21 : memref<1x4096xf32, #tpu.memory_space<vmem>> -> memref<4096xf32, #tpu.memory_space<vmem>>
    %dma_start3A_23 = arith.constant 0 : i32
    %dma_start3A_24 = tpu.memref_slice %arg5[%add3A_11, %dma_start3A_23] : memref<64x16384xf32, #tpu.memory_space<hbm>> -> memref<1x4096xf32, #tpu.memory_space<hbm>>
    %dma_start3A_25 = tpu.memref_squeeze %dma_start3A_24 : memref<1x4096xf32, #tpu.memory_space<hbm>> -> memref<4096xf32, #tpu.memory_space<hbm>>
    %dma_start3A_26 = arith.constant 0 : i32
    %dma_start3A_27 = tpu.memref_slice %arg5[%add3A_11, %dma_start3A_26] : memref<64x16384xf32, #tpu.memory_space<hbm>> -> memref<1x4096xf32, #tpu.memory_space<hbm>>
    %dma_start3A_28 = tpu.memref_squeeze %dma_start3A_27 : memref<1x4096xf32, #tpu.memory_space<hbm>> -> memref<4096xf32, #tpu.memory_space<hbm>>
    %dma_start3A_29 = arith.constant 0 : i32
    %dma_start3A_30 = tpu.memref_slice %arg9[%dma_start3A_19, %dma_start3A_29] : memref<2x4096xf32, #tpu.memory_space<vmem>> -> memref<1x4096xf32, #tpu.memory_space<vmem>>
    %dma_start3A_31 = tpu.memref_squeeze %dma_start3A_30 : memref<1x4096xf32, #tpu.memory_space<vmem>> -> memref<4096xf32, #tpu.memory_space<vmem>>
    tpu.enqueue_dma source(%dma_start3A_31 : memref<4096xf32, #tpu.memory_space<vmem>>) target(%dma_start3A_28 : memref<4096xf32, #tpu.memory_space<hbm>>) target_semaphore(%arg11 : memref<!tpu.dma_semaphore, #tpu.memory_space<semaphore_mem>>)
    %parallel_loop3A_32 = arith.constant 0 : i32
    %parallel_loop3A_33 = arith.constant 4096 : i32
    %parallel_loop3A_34 = arith.constant 16 : i32
    scf.for %parallel_loop3A_540 = %parallel_loop3A_32 to %parallel_loop3A_33 step %parallel_loop3A_34  : i32 {
      %parallel_loop3A_541 = arith.constant 4096 : i32
      %parallel_loop3A_542 = arith.addi %parallel_loop3A_541, %parallel_loop3A_540 : i32
      %parallel_loop3A_543 = arith.index_cast %parallel_loop3A_542 : i32 to index
      %parallel_loop3A_544 = tpu.vector_load %arg8[%parallel_loop3A_543] {strides = array<i32>} : memref<16384xi32, #tpu.memory_space<vmem>>, vector<16xi32>,
      %parallel_loop3A_545 = tpu.vector_load_idx %arg7[%parallel_loop3A_544] : memref<100000xf32, #tpu.memory_space<vmem>>[vector<16xi32>], vector<16xf32>,
      %parallel_loop3A_546 = arith.constant 1 : i32
      %parallel_loop3A_547 = arith.index_cast %parallel_loop3A_546 : i32 to index
      %parallel_loop3A_548 = arith.index_cast %parallel_loop3A_540 : i32 to index
      %parallel_loop3A_549 = tpu.vector_load %arg9[%parallel_loop3A_547, %parallel_loop3A_548] {strides = array<i32>} : memref<2x4096xf32, #tpu.memory_space<vmem>>, vector<16xf32>,
      tpu.vector_store %arg9[%parallel_loop3A_547, %parallel_loop3A_548], %parallel_loop3A_545 {strides = array<i32>} : memref<2x4096xf32, #tpu.memory_space<vmem>>, vector<16xf32>,
    } {sc.loop_unroll_factor = 8 : i64, sc.parallel_access}
    %dma_start3A_35 = arith.constant 1 : i32
    %dma_start3A_36 = arith.constant 0 : i32
    %dma_start3A_37 = tpu.memref_slice %arg9[%dma_start3A_35, %dma_start3A_36] : memref<2x4096xf32, #tpu.memory_space<vmem>> -> memref<1x4096xf32, #tpu.memory_space<vmem>>
    %dma_start3A_38 = tpu.memref_squeeze %dma_start3A_37 : memref<1x4096xf32, #tpu.memory_space<vmem>> -> memref<4096xf32, #tpu.memory_space<vmem>>
    %dma_start3A_39 = arith.constant 4096 : i32
    %dma_start3A_40 = tpu.memref_slice %arg5[%add3A_11, %dma_start3A_39] : memref<64x16384xf32, #tpu.memory_space<hbm>> -> memref<1x4096xf32, #tpu.memory_space<hbm>>
    %dma_start3A_41 = tpu.memref_squeeze %dma_start3A_40 : memref<1x4096xf32, #tpu.memory_space<hbm>> -> memref<4096xf32, #tpu.memory_space<hbm>>
    %dma_start3A_42 = arith.constant 4096 : i32
    %dma_start3A_43 = tpu.memref_slice %arg5[%add3A_11, %dma_start3A_42] : memref<64x16384xf32, #tpu.memory_space<hbm>> -> memref<1x4096xf32, #tpu.memory_space<hbm>>
    %dma_start3A_44 = tpu.memref_squeeze %dma_start3A_43 : memref<1x4096xf32, #tpu.memory_space<hbm>> -> memref<4096xf32, #tpu.memory_space<hbm>>
    %dma_start3A_45 = arith.constant 0 : i32
    %dma_start3A_46 = tpu.memref_slice %arg9[%dma_start3A_35, %dma_start3A_45] : memref<2x4096xf32, #tpu.memory_space<vmem>> -> memref<1x4096xf32, #tpu.memory_space<vmem>>
    %dma_start3A_47 = tpu.memref_squeeze %dma_start3A_46 : memref<1x4096xf32, #tpu.memory_space<vmem>> -> memref<4096xf32, #tpu.memory_space<vmem>>
    tpu.enqueue_dma source(%dma_start3A_47 : memref<4096xf32, #tpu.memory_space<vmem>>) target(%dma_start3A_44 : memref<4096xf32, #tpu.memory_space<hbm>>) target_semaphore(%arg12 : memref<!tpu.dma_semaphore, #tpu.memory_space<semaphore_mem>>)
    %dma_wait3A_48 = arith.constant 0 : i32
    %dma_wait3A_49 = arith.constant 0 : i32
    %dma_wait3A_50 = tpu.memref_slice %arg9[%dma_wait3A_48, %dma_wait3A_49] : memref<2x4096xf32, #tpu.memory_space<vmem>> -> memref<1x4096xf32, #tpu.memory_space<vmem>>
    %dma_wait3A_51 = tpu.memref_squeeze %dma_wait3A_50 : memref<1x4096xf32, #tpu.memory_space<vmem>> -> memref<4096xf32, #tpu.memory_space<vmem>>
    %dma_wait3A_52 = arith.constant 0 : i32
    %dma_wait3A_53 = tpu.memref_slice %arg5[%add3A_11, %dma_wait3A_52] : memref<64x16384xf32, #tpu.memory_space<hbm>> -> memref<1x4096xf32, #tpu.memory_space<hbm>>
    %dma_wait3A_54 = tpu.memref_squeeze %dma_wait3A_53 : memref<1x4096xf32, #tpu.memory_space<hbm>> -> memref<4096xf32, #tpu.memory_space<hbm>>
    %dma_wait3A_55 = arith.constant 0 : i32
    %dma_wait3A_56 = tpu.memref_slice %arg5[%add3A_11, %dma_wait3A_55] : memref<64x16384xf32, #tpu.memory_space<hbm>> -> memref<1x4096xf32, #tpu.memory_space<hbm>>
    %dma_wait3A_57 = tpu.memref_squeeze %dma_wait3A_56 : memref<1x4096xf32, #tpu.memory_space<hbm>> -> memref<4096xf32, #tpu.memory_space<hbm>>
    %dma_wait3A_58 = arith.constant 0 : i32
    %dma_wait3A_59 = tpu.memref_slice %arg9[%dma_wait3A_48, %dma_wait3A_58] : memref<2x4096xf32, #tpu.memory_space<vmem>> -> memref<1x4096xf32, #tpu.memory_space<vmem>>
    %dma_wait3A_60 = tpu.memref_squeeze %dma_wait3A_59 : memref<1x4096xf32, #tpu.memory_space<vmem>> -> memref<4096xf32, #tpu.memory_space<vmem>>
    tpu.wait_dma2 semaphore(%arg11 : memref<!tpu.dma_semaphore, #tpu.memory_space<semaphore_mem>>) src(%dma_wait3A_60 : memref<4096xf32, #tpu.memory_space<vmem>>) dst(%dma_wait3A_57 : memref<4096xf32, #tpu.memory_space<hbm>>)
    %parallel_loop3A_61 = arith.constant 0 : i32
    %parallel_loop3A_62 = arith.constant 4096 : i32
    %parallel_loop3A_63 = arith.constant 16 : i32
    scf.for %parallel_loop3A_540 = %parallel_loop3A_61 to %parallel_loop3A_62 step %parallel_loop3A_63  : i32 {
      %parallel_loop3A_541 = arith.constant 8192 : i32
      %parallel_loop3A_542 = arith.addi %parallel_loop3A_541, %parallel_loop3A_540 : i32
      %parallel_loop3A_543 = arith.index_cast %parallel_loop3A_542 : i32 to index
      %parallel_loop3A_544 = tpu.vector_load %arg8[%parallel_loop3A_543] {strides = array<i32>} : memref<16384xi32, #tpu.memory_space<vmem>>, vector<16xi32>,
      %parallel_loop3A_545 = tpu.vector_load_idx %arg7[%parallel_loop3A_544] : memref<100000xf32, #tpu.memory_space<vmem>>[vector<16xi32>], vector<16xf32>,
      %parallel_loop3A_546 = arith.constant 0 : i32
      %parallel_loop3A_547 = arith.index_cast %parallel_loop3A_546 : i32 to index
      %parallel_loop3A_548 = arith.index_cast %parallel_loop3A_540 : i32 to index
      %parallel_loop3A_549 = tpu.vector_load %arg9[%parallel_loop3A_547, %parallel_loop3A_548] {strides = array<i32>} : memref<2x4096xf32, #tpu.memory_space<vmem>>, vector<16xf32>,
      tpu.vector_store %arg9[%parallel_loop3A_547, %parallel_loop3A_548], %parallel_loop3A_545 {strides = array<i32>} : memref<2x4096xf32, #tpu.memory_space<vmem>>, vector<16xf32>,
    } {sc.loop_unroll_factor = 8 : i64, sc.parallel_access}
    %dma_start3A_64 = arith.constant 0 : i32
    %dma_start3A_65 = arith.constant 0 : i32
    %dma_start3A_66 = tpu.memref_slice %arg9[%dma_start3A_64, %dma_start3A_65] : memref<2x4096xf32, #tpu.memory_space<vmem>> -> memref<1x4096xf32, #tpu.memory_space<vmem>>
    %dma_start3A_67 = tpu.memref_squeeze %dma_start3A_66 : memref<1x4096xf32, #tpu.memory_space<vmem>> -> memref<4096xf32, #tpu.memory_space<vmem>>
    %dma_start3A_68 = arith.constant 8192 : i32
    %dma_start3A_69 = tpu.memref_slice %arg5[%add3A_11, %dma_start3A_68] : memref<64x16384xf32, #tpu.memory_space<hbm>> -> memref<1x4096xf32, #tpu.memory_space<hbm>>
    %dma_start3A_70 = tpu.memref_squeeze %dma_start3A_69 : memref<1x4096xf32, #tpu.memory_space<hbm>> -> memref<4096xf32, #tpu.memory_space<hbm>>
    %dma_start3A_71 = arith.constant 8192 : i32
    %dma_start3A_72 = tpu.memref_slice %arg5[%add3A_11, %dma_start3A_71] : memref<64x16384xf32, #tpu.memory_space<hbm>> -> memref<1x4096xf32, #tpu.memory_space<hbm>>
    %dma_start3A_73 = tpu.memref_squeeze %dma_start3A_72 : memref<1x4096xf32, #tpu.memory_space<hbm>> -> memref<4096xf32, #tpu.memory_space<hbm>>
    %dma_start3A_74 = arith.constant 0 : i32
    %dma_start3A_75 = tpu.memref_slice %arg9[%dma_start3A_64, %dma_start3A_74] : memref<2x4096xf32, #tpu.memory_space<vmem>> -> memref<1x4096xf32, #tpu.memory_space<vmem>>
    %dma_start3A_76 = tpu.memref_squeeze %dma_start3A_75 : memref<1x4096xf32, #tpu.memory_space<vmem>> -> memref<4096xf32, #tpu.memory_space<vmem>>
    tpu.enqueue_dma source(%dma_start3A_76 : memref<4096xf32, #tpu.memory_space<vmem>>) target(%dma_start3A_73 : memref<4096xf32, #tpu.memory_space<hbm>>) target_semaphore(%arg11 : memref<!tpu.dma_semaphore, #tpu.memory_space<semaphore_mem>>)
    %dma_wait3A_77 = arith.constant 1 : i32
    %dma_wait3A_78 = arith.constant 0 : i32
    %dma_wait3A_79 = tpu.memref_slice %arg9[%dma_wait3A_77, %dma_wait3A_78] : memref<2x4096xf32, #tpu.memory_space<vmem>> -> memref<1x4096xf32, #tpu.memory_space<vmem>>
    %dma_wait3A_80 = tpu.memref_squeeze %dma_wait3A_79 : memref<1x4096xf32, #tpu.memory_space<vmem>> -> memref<4096xf32, #tpu.memory_space<vmem>>
    %dma_wait3A_81 = arith.constant 4096 : i32
    %dma_wait3A_82 = tpu.memref_slice %arg5[%add3A_11, %dma_wait3A_81] : memref<64x16384xf32, #tpu.memory_space<hbm>> -> memref<1x4096xf32, #tpu.memory_space<hbm>>
    %dma_wait3A_83 = tpu.memref_squeeze %dma_wait3A_82 : memref<1x4096xf32, #tpu.memory_space<hbm>> -> memref<4096xf32, #tpu.memory_space<hbm>>
    %dma_wait3A_84 = arith.constant 4096 : i32
    %dma_wait3A_85 = tpu.memref_slice %arg5[%add3A_11, %dma_wait3A_84] : memref<64x16384xf32, #tpu.memory_space<hbm>> -> memref<1x4096xf32, #tpu.memory_space<hbm>>
    %dma_wait3A_86 = tpu.memref_squeeze %dma_wait3A_85 : memref<1x4096xf32, #tpu.memory_space<hbm>> -> memref<4096xf32, #tpu.memory_space<hbm>>
    %dma_wait3A_87 = arith.constant 0 : i32
    %dma_wait3A_88 = tpu.memref_slice %arg9[%dma_wait3A_77, %dma_wait3A_87] : memref<2x4096xf32, #tpu.memory_space<vmem>> -> memref<1x4096xf32, #tpu.memory_space<vmem>>
    %dma_wait3A_89 = tpu.memref_squeeze %dma_wait3A_88 : memref<1x4096xf32, #tpu.memory_space<vmem>> -> memref<4096xf32, #tpu.memory_space<vmem>>
    tpu.wait_dma2 semaphore(%arg12 : memref<!tpu.dma_semaphore, #tpu.memory_space<semaphore_mem>>) src(%dma_wait3A_89 : memref<4096xf32, #tpu.memory_space<vmem>>) dst(%dma_wait3A_86 : memref<4096xf32, #tpu.memory_space<hbm>>)
    %parallel_loop3A_90 = arith.constant 0 : i32
    %parallel_loop3A_91 = arith.constant 4096 : i32
    %parallel_loop3A_92 = arith.constant 16 : i32
    scf.for %parallel_loop3A_540 = %parallel_loop3A_90 to %parallel_loop3A_91 step %parallel_loop3A_92  : i32 {
      %parallel_loop3A_541 = arith.constant 12288 : i32
      %parallel_loop3A_542 = arith.addi %parallel_loop3A_541, %parallel_loop3A_540 : i32
      %parallel_loop3A_543 = arith.index_cast %parallel_loop3A_542 : i32 to index
      %parallel_loop3A_544 = tpu.vector_load %arg8[%parallel_loop3A_543] {strides = array<i32>} : memref<16384xi32, #tpu.memory_space<vmem>>, vector<16xi32>,
      %parallel_loop3A_545 = tpu.vector_load_idx %arg7[%parallel_loop3A_544] : memref<100000xf32, #tpu.memory_space<vmem>>[vector<16xi32>], vector<16xf32>,
      %parallel_loop3A_546 = arith.constant 1 : i32
      %parallel_loop3A_547 = arith.index_cast %parallel_loop3A_546 : i32 to index
      %parallel_loop3A_548 = arith.index_cast %parallel_loop3A_540 : i32 to index
      %parallel_loop3A_549 = tpu.vector_load %arg9[%parallel_loop3A_547, %parallel_loop3A_548] {strides = array<i32>} : memref<2x4096xf32, #tpu.memory_space<vmem>>, vector<16xf32>,
      tpu.vector_store %arg9[%parallel_loop3A_547, %parallel_loop3A_548], %parallel_loop3A_545 {strides = array<i32>} : memref<2x4096xf32, #tpu.memory_space<vmem>>, vector<16xf32>,
    } {sc.loop_unroll_factor = 8 : i64, sc.parallel_access}
    %mul3A_93 = arith.constant 2 : i32
    %mul3A_94 = arith.muli %add3A, %mul3A_93 : i32
    %add3A_95 = arith.constant 0 : i32
    %add3A_96 = arith.addi %mul3A_94, %add3A_95 : i32
    %dma_start3A_97 = arith.constant 0 : i32
    %dma_start3A_98 = tpu.memref_slice %arg4[%add3A_96, %dma_start3A_97] : memref<64x100000xf32, #tpu.memory_space<hbm>> -> memref<1x100000xf32, #tpu.memory_space<hbm>>
    %dma_start3A_99 = tpu.memref_squeeze %dma_start3A_98 : memref<1x100000xf32, #tpu.memory_space<hbm>> -> memref<100000xf32, #tpu.memory_space<hbm>>
    %dma_start3A_100 = arith.constant 0 : i32
    %dma_start3A_101 = tpu.memref_slice %arg4[%add3A_96, %dma_start3A_100] : memref<64x100000xf32, #tpu.memory_space<hbm>> -> memref<1x100000xf32, #tpu.memory_space<hbm>>
    %dma_start3A_102 = tpu.memref_squeeze %dma_start3A_101 : memref<1x100000xf32, #tpu.memory_space<hbm>> -> memref<100000xf32, #tpu.memory_space<hbm>>
    tpu.enqueue_dma source(%dma_start3A_102 : memref<100000xf32, #tpu.memory_space<hbm>>) target(%arg7 : memref<100000xf32, #tpu.memory_space<vmem>>) target_semaphore(%arg10 : memref<!tpu.dma_semaphore, #tpu.memory_space<semaphore_mem>>)
    %dma_start3A_103 = arith.constant 1 : i32
    %dma_start3A_104 = arith.constant 0 : i32
    %dma_start3A_105 = tpu.memref_slice %arg9[%dma_start3A_103, %dma_start3A_104] : memref<2x4096xf32, #tpu.memory_space<vmem>> -> memref<1x4096xf32, #tpu.memory_space<vmem>>
    %dma_start3A_106 = tpu.memref_squeeze %dma_start3A_105 : memref<1x4096xf32, #tpu.memory_space<vmem>> -> memref<4096xf32, #tpu.memory_space<vmem>>
    %dma_start3A_107 = arith.constant 12288 : i32
    %dma_start3A_108 = tpu.memref_slice %arg5[%add3A_11, %dma_start3A_107] : memref<64x16384xf32, #tpu.memory_space<hbm>> -> memref<1x4096xf32, #tpu.memory_space<hbm>>
    %dma_start3A_109 = tpu.memref_squeeze %dma_start3A_108 : memref<1x4096xf32, #tpu.memory_space<hbm>> -> memref<4096xf32, #tpu.memory_space<hbm>>
    %dma_start3A_110 = arith.constant 12288 : i32
    %dma_start3A_111 = tpu.memref_slice %arg5[%add3A_11, %dma_start3A_110] : memref<64x16384xf32, #tpu.memory_space<hbm>> -> memref<1x4096xf32, #tpu.memory_space<hbm>>
    %dma_start3A_112 = tpu.memref_squeeze %dma_start3A_111 : memref<1x4096xf32, #tpu.memory_space<hbm>> -> memref<4096xf32, #tpu.memory_space<hbm>>
    %dma_start3A_113 = arith.constant 0 : i32
    %dma_start3A_114 = tpu.memref_slice %arg9[%dma_start3A_103, %dma_start3A_113] : memref<2x4096xf32, #tpu.memory_space<vmem>> -> memref<1x4096xf32, #tpu.memory_space<vmem>>
    %dma_start3A_115 = tpu.memref_squeeze %dma_start3A_114 : memref<1x4096xf32, #tpu.memory_space<vmem>> -> memref<4096xf32, #tpu.memory_space<vmem>>
    tpu.enqueue_dma source(%dma_start3A_115 : memref<4096xf32, #tpu.memory_space<vmem>>) target(%dma_start3A_112 : memref<4096xf32, #tpu.memory_space<hbm>>) target_semaphore(%arg12 : memref<!tpu.dma_semaphore, #tpu.memory_space<semaphore_mem>>)
    %mul3A_116 = arith.constant 2 : i32
    %mul3A_117 = arith.muli %add3A, %mul3A_116 : i32
    %add3A_118 = arith.constant 0 : i32
    %add3A_119 = arith.addi %mul3A_117, %add3A_118 : i32
    %dma_wait3A_120 = arith.constant 0 : i32
    %dma_wait3A_121 = tpu.memref_slice %arg4[%add3A_96, %dma_wait3A_120] : memref<64x100000xf32, #tpu.memory_space<hbm>> -> memref<1x100000xf32, #tpu.memory_space<hbm>>
    %dma_wait3A_122 = tpu.memref_squeeze %dma_wait3A_121 : memref<1x100000xf32, #tpu.memory_space<hbm>> -> memref<100000xf32, #tpu.memory_space<hbm>>
    %dma_wait3A_123 = arith.constant 0 : i32
    %dma_wait3A_124 = tpu.memref_slice %arg4[%add3A_96, %dma_wait3A_123] : memref<64x100000xf32, #tpu.memory_space<hbm>> -> memref<1x100000xf32, #tpu.memory_space<hbm>>
    %dma_wait3A_125 = tpu.memref_squeeze %dma_wait3A_124 : memref<1x100000xf32, #tpu.memory_space<hbm>> -> memref<100000xf32, #tpu.memory_space<hbm>>
    tpu.wait_dma2 semaphore(%arg10 : memref<!tpu.dma_semaphore, #tpu.memory_space<semaphore_mem>>) src(%dma_wait3A_125 : memref<100000xf32, #tpu.memory_space<hbm>>) dst(%arg7 : memref<100000xf32, #tpu.memory_space<vmem>>)
    %dma_wait3A_126 = arith.constant 0 : i32
    %dma_wait3A_127 = arith.constant 0 : i32
    %dma_wait3A_128 = tpu.memref_slice %arg9[%dma_wait3A_126, %dma_wait3A_127] : memref<2x4096xf32, #tpu.memory_space<vmem>> -> memref<1x4096xf32, #tpu.memory_space<vmem>>
    %dma_wait3A_129 = tpu.memref_squeeze %dma_wait3A_128 : memref<1x4096xf32, #tpu.memory_space<vmem>> -> memref<4096xf32, #tpu.memory_space<vmem>>
    %dma_wait3A_130 = arith.constant 8192 : i32
    %dma_wait3A_131 = tpu.memref_slice %arg5[%add3A_11, %dma_wait3A_130] : memref<64x16384xf32, #tpu.memory_space<hbm>> -> memref<1x4096xf32, #tpu.memory_space<hbm>>
    %dma_wait3A_132 = tpu.memref_squeeze %dma_wait3A_131 : memref<1x4096xf32, #tpu.memory_space<hbm>> -> memref<4096xf32, #tpu.memory_space<hbm>>
    %dma_wait3A_133 = arith.constant 8192 : i32
    %dma_wait3A_134 = tpu.memref_slice %arg5[%add3A_11, %dma_wait3A_133] : memref<64x16384xf32, #tpu.memory_space<hbm>> -> memref<1x4096xf32, #tpu.memory_space<hbm>>
    %dma_wait3A_135 = tpu.memref_squeeze %dma_wait3A_134 : memref<1x4096xf32, #tpu.memory_space<hbm>> -> memref<4096xf32, #tpu.memory_space<hbm>>
    %dma_wait3A_136 = arith.constant 0 : i32
    %dma_wait3A_137 = tpu.memref_slice %arg9[%dma_wait3A_126, %dma_wait3A_136] : memref<2x4096xf32, #tpu.memory_space<vmem>> -> memref<1x4096xf32, #tpu.memory_space<vmem>>
    %dma_wait3A_138 = tpu.memref_squeeze %dma_wait3A_137 : memref<1x4096xf32, #tpu.memory_space<vmem>> -> memref<4096xf32, #tpu.memory_space<vmem>>
    tpu.wait_dma2 semaphore(%arg11 : memref<!tpu.dma_semaphore, #tpu.memory_space<semaphore_mem>>) src(%dma_wait3A_138 : memref<4096xf32, #tpu.memory_space<vmem>>) dst(%dma_wait3A_135 : memref<4096xf32, #tpu.memory_space<hbm>>)
    %parallel_loop3A_139 = arith.constant 0 : i32
    %parallel_loop3A_140 = arith.constant 4096 : i32
    %parallel_loop3A_141 = arith.constant 16 : i32
    scf.for %parallel_loop3A_540 = %parallel_loop3A_139 to %parallel_loop3A_140 step %parallel_loop3A_141  : i32 {
      %parallel_loop3A_541 = arith.constant 0 : i32
      %parallel_loop3A_542 = arith.addi %parallel_loop3A_541, %parallel_loop3A_540 : i32
      %parallel_loop3A_543 = arith.index_cast %parallel_loop3A_542 : i32 to index
      %parallel_loop3A_544 = tpu.vector_load %arg8[%parallel_loop3A_543] {strides = array<i32>} : memref<16384xi32, #tpu.memory_space<vmem>>, vector<16xi32>,
      %parallel_loop3A_545 = tpu.vector_load_idx %arg7[%parallel_loop3A_544] : memref<100000xf32, #tpu.memory_space<vmem>>[vector<16xi32>], vector<16xf32>,
      %parallel_loop3A_546 = arith.constant 0 : i32
      %parallel_loop3A_547 = arith.index_cast %parallel_loop3A_546 : i32 to index
      %parallel_loop3A_548 = arith.index_cast %parallel_loop3A_540 : i32 to index
      %parallel_loop3A_549 = tpu.vector_load %arg9[%parallel_loop3A_547, %parallel_loop3A_548] {strides = array<i32>} : memref<2x4096xf32, #tpu.memory_space<vmem>>, vector<16xf32>,
      tpu.vector_store %arg9[%parallel_loop3A_547, %parallel_loop3A_548], %parallel_loop3A_545 {strides = array<i32>} : memref<2x4096xf32, #tpu.memory_space<vmem>>, vector<16xf32>,
    } {sc.loop_unroll_factor = 8 : i64, sc.parallel_access}
    %dma_start3A_142 = arith.constant 0 : i32
    %dma_start3A_143 = arith.constant 0 : i32
    %dma_start3A_144 = tpu.memref_slice %arg9[%dma_start3A_142, %dma_start3A_143] : memref<2x4096xf32, #tpu.memory_space<vmem>> -> memref<1x4096xf32, #tpu.memory_space<vmem>>
    %dma_start3A_145 = tpu.memref_squeeze %dma_start3A_144 : memref<1x4096xf32, #tpu.memory_space<vmem>> -> memref<4096xf32, #tpu.memory_space<vmem>>
    %dma_start3A_146 = arith.constant 0 : i32
    %dma_start3A_147 = tpu.memref_slice %arg6[%add3A_119, %dma_start3A_146] : memref<64x16384xf32, #tpu.memory_space<hbm>> -> memref<1x4096xf32, #tpu.memory_space<hbm>>
    %dma_start3A_148 = tpu.memref_squeeze %dma_start3A_147 : memref<1x4096xf32, #tpu.memory_space<hbm>> -> memref<4096xf32, #tpu.memory_space<hbm>>
    %dma_start3A_149 = arith.constant 0 : i32
    %dma_start3A_150 = tpu.memref_slice %arg6[%add3A_119, %dma_start3A_149] : memref<64x16384xf32, #tpu.memory_space<hbm>> -> memref<1x4096xf32, #tpu.memory_space<hbm>>
    %dma_start3A_151 = tpu.memref_squeeze %dma_start3A_150 : memref<1x4096xf32, #tpu.memory_space<hbm>> -> memref<4096xf32, #tpu.memory_space<hbm>>
    %dma_start3A_152 = arith.constant 0 : i32
    %dma_start3A_153 = tpu.memref_slice %arg9[%dma_start3A_142, %dma_start3A_152] : memref<2x4096xf32, #tpu.memory_space<vmem>> -> memref<1x4096xf32, #tpu.memory_space<vmem>>
    %dma_start3A_154 = tpu.memref_squeeze %dma_start3A_153 : memref<1x4096xf32, #tpu.memory_space<vmem>> -> memref<4096xf32, #tpu.memory_space<vmem>>
    tpu.enqueue_dma source(%dma_start3A_154 : memref<4096xf32, #tpu.memory_space<vmem>>) target(%dma_start3A_151 : memref<4096xf32, #tpu.memory_space<hbm>>) target_semaphore(%arg11 : memref<!tpu.dma_semaphore, #tpu.memory_space<semaphore_mem>>)
    %dma_wait3A_155 = arith.constant 1 : i32
    %dma_wait3A_156 = arith.constant 0 : i32
    %dma_wait3A_157 = tpu.memref_slice %arg9[%dma_wait3A_155, %dma_wait3A_156] : memref<2x4096xf32, #tpu.memory_space<vmem>> -> memref<1x4096xf32, #tpu.memory_space<vmem>>
    %dma_wait3A_158 = tpu.memref_squeeze %dma_wait3A_157 : memref<1x4096xf32, #tpu.memory_space<vmem>> -> memref<4096xf32, #tpu.memory_space<vmem>>
    %dma_wait3A_159 = arith.constant 12288 : i32
    %dma_wait3A_160 = tpu.memref_slice %arg5[%add3A_11, %dma_wait3A_159] : memref<64x16384xf32, #tpu.memory_space<hbm>> -> memref<1x4096xf32, #tpu.memory_space<hbm>>
    %dma_wait3A_161 = tpu.memref_squeeze %dma_wait3A_160 : memref<1x4096xf32, #tpu.memory_space<hbm>> -> memref<4096xf32, #tpu.memory_space<hbm>>
    %dma_wait3A_162 = arith.constant 12288 : i32
    %dma_wait3A_163 = tpu.memref_slice %arg5[%add3A_11, %dma_wait3A_162] : memref<64x16384xf32, #tpu.memory_space<hbm>> -> memref<1x4096xf32, #tpu.memory_space<hbm>>
    %dma_wait3A_164 = tpu.memref_squeeze %dma_wait3A_163 : memref<1x4096xf32, #tpu.memory_space<hbm>> -> memref<4096xf32, #tpu.memory_space<hbm>>
    %dma_wait3A_165 = arith.constant 0 : i32
    %dma_wait3A_166 = tpu.memref_slice %arg9[%dma_wait3A_155, %dma_wait3A_165] : memref<2x4096xf32, #tpu.memory_space<vmem>> -> memref<1x4096xf32, #tpu.memory_space<vmem>>
    %dma_wait3A_167 = tpu.memref_squeeze %dma_wait3A_166 : memref<1x4096xf32, #tpu.memory_space<vmem>> -> memref<4096xf32, #tpu.memory_space<vmem>>
    tpu.wait_dma2 semaphore(%arg12 : memref<!tpu.dma_semaphore, #tpu.memory_space<semaphore_mem>>) src(%dma_wait3A_167 : memref<4096xf32, #tpu.memory_space<vmem>>) dst(%dma_wait3A_164 : memref<4096xf32, #tpu.memory_space<hbm>>)
    %parallel_loop3A_168 = arith.constant 0 : i32
    %parallel_loop3A_169 = arith.constant 4096 : i32
    %parallel_loop3A_170 = arith.constant 16 : i32
    scf.for %parallel_loop3A_540 = %parallel_loop3A_168 to %parallel_loop3A_169 step %parallel_loop3A_170  : i32 {
      %parallel_loop3A_541 = arith.constant 4096 : i32
      %parallel_loop3A_542 = arith.addi %parallel_loop3A_541, %parallel_loop3A_540 : i32
      %parallel_loop3A_543 = arith.index_cast %parallel_loop3A_542 : i32 to index
      %parallel_loop3A_544 = tpu.vector_load %arg8[%parallel_loop3A_543] {strides = array<i32>} : memref<16384xi32, #tpu.memory_space<vmem>>, vector<16xi32>,
      %parallel_loop3A_545 = tpu.vector_load_idx %arg7[%parallel_loop3A_544] : memref<100000xf32, #tpu.memory_space<vmem>>[vector<16xi32>], vector<16xf32>,
      %parallel_loop3A_546 = arith.constant 1 : i32
      %parallel_loop3A_547 = arith.index_cast %parallel_loop3A_546 : i32 to index
      %parallel_loop3A_548 = arith.index_cast %parallel_loop3A_540 : i32 to index
      %parallel_loop3A_549 = tpu.vector_load %arg9[%parallel_loop3A_547, %parallel_loop3A_548] {strides = array<i32>} : memref<2x4096xf32, #tpu.memory_space<vmem>>, vector<16xf32>,
      tpu.vector_store %arg9[%parallel_loop3A_547, %parallel_loop3A_548], %parallel_loop3A_545 {strides = array<i32>} : memref<2x4096xf32, #tpu.memory_space<vmem>>, vector<16xf32>,
    } {sc.loop_unroll_factor = 8 : i64, sc.parallel_access}
    %dma_start3A_171 = arith.constant 1 : i32
    %dma_start3A_172 = arith.constant 0 : i32
    %dma_start3A_173 = tpu.memref_slice %arg9[%dma_start3A_171, %dma_start3A_172] : memref<2x4096xf32, #tpu.memory_space<vmem>> -> memref<1x4096xf32, #tpu.memory_space<vmem>>
    %dma_start3A_174 = tpu.memref_squeeze %dma_start3A_173 : memref<1x4096xf32, #tpu.memory_space<vmem>> -> memref<4096xf32, #tpu.memory_space<vmem>>
    %dma_start3A_175 = arith.constant 4096 : i32
    %dma_start3A_176 = tpu.memref_slice %arg6[%add3A_119, %dma_start3A_175] : memref<64x16384xf32, #tpu.memory_space<hbm>> -> memref<1x4096xf32, #tpu.memory_space<hbm>>
    %dma_start3A_177 = tpu.memref_squeeze %dma_start3A_176 : memref<1x4096xf32, #tpu.memory_space<hbm>> -> memref<4096xf32, #tpu.memory_space<hbm>>
    %dma_start3A_178 = arith.constant 4096 : i32
    %dma_start3A_179 = tpu.memref_slice %arg6[%add3A_119, %dma_start3A_178] : memref<64x16384xf32, #tpu.memory_space<hbm>> -> memref<1x4096xf32, #tpu.memory_space<hbm>>
    %dma_start3A_180 = tpu.memref_squeeze %dma_start3A_179 : memref<1x4096xf32, #tpu.memory_space<hbm>> -> memref<4096xf32, #tpu.memory_space<hbm>>
    %dma_start3A_181 = arith.constant 0 : i32
    %dma_start3A_182 = tpu.memref_slice %arg9[%dma_start3A_171, %dma_start3A_181] : memref<2x4096xf32, #tpu.memory_space<vmem>> -> memref<1x4096xf32, #tpu.memory_space<vmem>>
    %dma_start3A_183 = tpu.memref_squeeze %dma_start3A_182 : memref<1x4096xf32, #tpu.memory_space<vmem>> -> memref<4096xf32, #tpu.memory_space<vmem>>
    tpu.enqueue_dma source(%dma_start3A_183 : memref<4096xf32, #tpu.memory_space<vmem>>) target(%dma_start3A_180 : memref<4096xf32, #tpu.memory_space<hbm>>) target_semaphore(%arg12 : memref<!tpu.dma_semaphore, #tpu.memory_space<semaphore_mem>>)
    %dma_wait3A_184 = arith.constant 0 : i32
    %dma_wait3A_185 = arith.constant 0 : i32
    %dma_wait3A_186 = tpu.memref_slice %arg9[%dma_wait3A_184, %dma_wait3A_185] : memref<2x4096xf32, #tpu.memory_space<vmem>> -> memref<1x4096xf32, #tpu.memory_space<vmem>>
    %dma_wait3A_187 = tpu.memref_squeeze %dma_wait3A_186 : memref<1x4096xf32, #tpu.memory_space<vmem>> -> memref<4096xf32, #tpu.memory_space<vmem>>
    %dma_wait3A_188 = arith.constant 0 : i32
    %dma_wait3A_189 = tpu.memref_slice %arg6[%add3A_119, %dma_wait3A_188] : memref<64x16384xf32, #tpu.memory_space<hbm>> -> memref<1x4096xf32, #tpu.memory_space<hbm>>
    %dma_wait3A_190 = tpu.memref_squeeze %dma_wait3A_189 : memref<1x4096xf32, #tpu.memory_space<hbm>> -> memref<4096xf32, #tpu.memory_space<hbm>>
    %dma_wait3A_191 = arith.constant 0 : i32
    %dma_wait3A_192 = tpu.memref_slice %arg6[%add3A_119, %dma_wait3A_191] : memref<64x16384xf32, #tpu.memory_space<hbm>> -> memref<1x4096xf32, #tpu.memory_space<hbm>>
    %dma_wait3A_193 = tpu.memref_squeeze %dma_wait3A_192 : memref<1x4096xf32, #tpu.memory_space<hbm>> -> memref<4096xf32, #tpu.memory_space<hbm>>
    %dma_wait3A_194 = arith.constant 0 : i32
    %dma_wait3A_195 = tpu.memref_slice %arg9[%dma_wait3A_184, %dma_wait3A_194] : memref<2x4096xf32, #tpu.memory_space<vmem>> -> memref<1x4096xf32, #tpu.memory_space<vmem>>
    %dma_wait3A_196 = tpu.memref_squeeze %dma_wait3A_195 : memref<1x4096xf32, #tpu.memory_space<vmem>> -> memref<4096xf32, #tpu.memory_space<vmem>>
    tpu.wait_dma2 semaphore(%arg11 : memref<!tpu.dma_semaphore, #tpu.memory_space<semaphore_mem>>) src(%dma_wait3A_196 : memref<4096xf32, #tpu.memory_space<vmem>>) dst(%dma_wait3A_193 : memref<4096xf32, #tpu.memory_space<hbm>>)
    %parallel_loop3A_197 = arith.constant 0 : i32
    %parallel_loop3A_198 = arith.constant 4096 : i32
    %parallel_loop3A_199 = arith.constant 16 : i32
    scf.for %parallel_loop3A_540 = %parallel_loop3A_197 to %parallel_loop3A_198 step %parallel_loop3A_199  : i32 {
      %parallel_loop3A_541 = arith.constant 8192 : i32
      %parallel_loop3A_542 = arith.addi %parallel_loop3A_541, %parallel_loop3A_540 : i32
      %parallel_loop3A_543 = arith.index_cast %parallel_loop3A_542 : i32 to index
      %parallel_loop3A_544 = tpu.vector_load %arg8[%parallel_loop3A_543] {strides = array<i32>} : memref<16384xi32, #tpu.memory_space<vmem>>, vector<16xi32>,
      %parallel_loop3A_545 = tpu.vector_load_idx %arg7[%parallel_loop3A_544] : memref<100000xf32, #tpu.memory_space<vmem>>[vector<16xi32>], vector<16xf32>,
      %parallel_loop3A_546 = arith.constant 0 : i32
      %parallel_loop3A_547 = arith.index_cast %parallel_loop3A_546 : i32 to index
      %parallel_loop3A_548 = arith.index_cast %parallel_loop3A_540 : i32 to index
      %parallel_loop3A_549 = tpu.vector_load %arg9[%parallel_loop3A_547, %parallel_loop3A_548] {strides = array<i32>} : memref<2x4096xf32, #tpu.memory_space<vmem>>, vector<16xf32>,
      tpu.vector_store %arg9[%parallel_loop3A_547, %parallel_loop3A_548], %parallel_loop3A_545 {strides = array<i32>} : memref<2x4096xf32, #tpu.memory_space<vmem>>, vector<16xf32>,
    } {sc.loop_unroll_factor = 8 : i64, sc.parallel_access}
    %dma_start3A_200 = arith.constant 0 : i32
    %dma_start3A_201 = arith.constant 0 : i32
    %dma_start3A_202 = tpu.memref_slice %arg9[%dma_start3A_200, %dma_start3A_201] : memref<2x4096xf32, #tpu.memory_space<vmem>> -> memref<1x4096xf32, #tpu.memory_space<vmem>>
    %dma_start3A_203 = tpu.memref_squeeze %dma_start3A_202 : memref<1x4096xf32, #tpu.memory_space<vmem>> -> memref<4096xf32, #tpu.memory_space<vmem>>
    %dma_start3A_204 = arith.constant 8192 : i32
    %dma_start3A_205 = tpu.memref_slice %arg6[%add3A_119, %dma_start3A_204] : memref<64x16384xf32, #tpu.memory_space<hbm>> -> memref<1x4096xf32, #tpu.memory_space<hbm>>
    %dma_start3A_206 = tpu.memref_squeeze %dma_start3A_205 : memref<1x4096xf32, #tpu.memory_space<hbm>> -> memref<4096xf32, #tpu.memory_space<hbm>>
    %dma_start3A_207 = arith.constant 8192 : i32
    %dma_start3A_208 = tpu.memref_slice %arg6[%add3A_119, %dma_start3A_207] : memref<64x16384xf32, #tpu.memory_space<hbm>> -> memref<1x4096xf32, #tpu.memory_space<hbm>>
    %dma_start3A_209 = tpu.memref_squeeze %dma_start3A_208 : memref<1x4096xf32, #tpu.memory_space<hbm>> -> memref<4096xf32, #tpu.memory_space<hbm>>
    %dma_start3A_210 = arith.constant 0 : i32
    %dma_start3A_211 = tpu.memref_slice %arg9[%dma_start3A_200, %dma_start3A_210] : memref<2x4096xf32, #tpu.memory_space<vmem>> -> memref<1x4096xf32, #tpu.memory_space<vmem>>
    %dma_start3A_212 = tpu.memref_squeeze %dma_start3A_211 : memref<1x4096xf32, #tpu.memory_space<vmem>> -> memref<4096xf32, #tpu.memory_space<vmem>>
    tpu.enqueue_dma source(%dma_start3A_212 : memref<4096xf32, #tpu.memory_space<vmem>>) target(%dma_start3A_209 : memref<4096xf32, #tpu.memory_space<hbm>>) target_semaphore(%arg11 : memref<!tpu.dma_semaphore, #tpu.memory_space<semaphore_mem>>)
    %dma_wait3A_213 = arith.constant 1 : i32
    %dma_wait3A_214 = arith.constant 0 : i32
    %dma_wait3A_215 = tpu.memref_slice %arg9[%dma_wait3A_213, %dma_wait3A_214] : memref<2x4096xf32, #tpu.memory_space<vmem>> -> memref<1x4096xf32, #tpu.memory_space<vmem>>
    %dma_wait3A_216 = tpu.memref_squeeze %dma_wait3A_215 : memref<1x4096xf32, #tpu.memory_space<vmem>> -> memref<4096xf32, #tpu.memory_space<vmem>>
    %dma_wait3A_217 = arith.constant 4096 : i32
    %dma_wait3A_218 = tpu.memref_slice %arg6[%add3A_119, %dma_wait3A_217] : memref<64x16384xf32, #tpu.memory_space<hbm>> -> memref<1x4096xf32, #tpu.memory_space<hbm>>
    %dma_wait3A_219 = tpu.memref_squeeze %dma_wait3A_218 : memref<1x4096xf32, #tpu.memory_space<hbm>> -> memref<4096xf32, #tpu.memory_space<hbm>>
    %dma_wait3A_220 = arith.constant 4096 : i32
    %dma_wait3A_221 = tpu.memref_slice %arg6[%add3A_119, %dma_wait3A_220] : memref<64x16384xf32, #tpu.memory_space<hbm>> -> memref<1x4096xf32, #tpu.memory_space<hbm>>
    %dma_wait3A_222 = tpu.memref_squeeze %dma_wait3A_221 : memref<1x4096xf32, #tpu.memory_space<hbm>> -> memref<4096xf32, #tpu.memory_space<hbm>>
    %dma_wait3A_223 = arith.constant 0 : i32
    %dma_wait3A_224 = tpu.memref_slice %arg9[%dma_wait3A_213, %dma_wait3A_223] : memref<2x4096xf32, #tpu.memory_space<vmem>> -> memref<1x4096xf32, #tpu.memory_space<vmem>>
    %dma_wait3A_225 = tpu.memref_squeeze %dma_wait3A_224 : memref<1x4096xf32, #tpu.memory_space<vmem>> -> memref<4096xf32, #tpu.memory_space<vmem>>
    tpu.wait_dma2 semaphore(%arg12 : memref<!tpu.dma_semaphore, #tpu.memory_space<semaphore_mem>>) src(%dma_wait3A_225 : memref<4096xf32, #tpu.memory_space<vmem>>) dst(%dma_wait3A_222 : memref<4096xf32, #tpu.memory_space<hbm>>)
    %parallel_loop3A_226 = arith.constant 0 : i32
    %parallel_loop3A_227 = arith.constant 4096 : i32
    %parallel_loop3A_228 = arith.constant 16 : i32
    scf.for %parallel_loop3A_540 = %parallel_loop3A_226 to %parallel_loop3A_227 step %parallel_loop3A_228  : i32 {
      %parallel_loop3A_541 = arith.constant 12288 : i32
      %parallel_loop3A_542 = arith.addi %parallel_loop3A_541, %parallel_loop3A_540 : i32
      %parallel_loop3A_543 = arith.index_cast %parallel_loop3A_542 : i32 to index
      %parallel_loop3A_544 = tpu.vector_load %arg8[%parallel_loop3A_543] {strides = array<i32>} : memref<16384xi32, #tpu.memory_space<vmem>>, vector<16xi32>,
      %parallel_loop3A_545 = tpu.vector_load_idx %arg7[%parallel_loop3A_544] : memref<100000xf32, #tpu.memory_space<vmem>>[vector<16xi32>], vector<16xf32>,
      %parallel_loop3A_546 = arith.constant 1 : i32
      %parallel_loop3A_547 = arith.index_cast %parallel_loop3A_546 : i32 to index
      %parallel_loop3A_548 = arith.index_cast %parallel_loop3A_540 : i32 to index
      %parallel_loop3A_549 = tpu.vector_load %arg9[%parallel_loop3A_547, %parallel_loop3A_548] {strides = array<i32>} : memref<2x4096xf32, #tpu.memory_space<vmem>>, vector<16xf32>,
      tpu.vector_store %arg9[%parallel_loop3A_547, %parallel_loop3A_548], %parallel_loop3A_545 {strides = array<i32>} : memref<2x4096xf32, #tpu.memory_space<vmem>>, vector<16xf32>,
    } {sc.loop_unroll_factor = 8 : i64, sc.parallel_access}
    %mul3A_229 = arith.constant 2 : i32
    %mul3A_230 = arith.muli %add3A, %mul3A_229 : i32
    %add3A_231 = arith.constant 1 : i32
    %add3A_232 = arith.addi %mul3A_230, %add3A_231 : i32
    %dma_start3A_233 = arith.constant 0 : i32
    %dma_start3A_234 = tpu.memref_slice %arg3[%add3A_232, %dma_start3A_233] : memref<64x100000xf32, #tpu.memory_space<hbm>> -> memref<1x100000xf32, #tpu.memory_space<hbm>>
    %dma_start3A_235 = tpu.memref_squeeze %dma_start3A_234 : memref<1x100000xf32, #tpu.memory_space<hbm>> -> memref<100000xf32, #tpu.memory_space<hbm>>
    %dma_start3A_236 = arith.constant 0 : i32
    %dma_start3A_237 = tpu.memref_slice %arg3[%add3A_232, %dma_start3A_236] : memref<64x100000xf32, #tpu.memory_space<hbm>> -> memref<1x100000xf32, #tpu.memory_space<hbm>>
    %dma_start3A_238 = tpu.memref_squeeze %dma_start3A_237 : memref<1x100000xf32, #tpu.memory_space<hbm>> -> memref<100000xf32, #tpu.memory_space<hbm>>
    tpu.enqueue_dma source(%dma_start3A_238 : memref<100000xf32, #tpu.memory_space<hbm>>) target(%arg7 : memref<100000xf32, #tpu.memory_space<vmem>>) target_semaphore(%arg10 : memref<!tpu.dma_semaphore, #tpu.memory_space<semaphore_mem>>)
    %dma_start3A_239 = arith.constant 1 : i32
    %dma_start3A_240 = arith.constant 0 : i32
    %dma_start3A_241 = tpu.memref_slice %arg9[%dma_start3A_239, %dma_start3A_240] : memref<2x4096xf32, #tpu.memory_space<vmem>> -> memref<1x4096xf32, #tpu.memory_space<vmem>>
    %dma_start3A_242 = tpu.memref_squeeze %dma_start3A_241 : memref<1x4096xf32, #tpu.memory_space<vmem>> -> memref<4096xf32, #tpu.memory_space<vmem>>
    %dma_start3A_243 = arith.constant 12288 : i32
    %dma_start3A_244 = tpu.memref_slice %arg6[%add3A_119, %dma_start3A_243] : memref<64x16384xf32, #tpu.memory_space<hbm>> -> memref<1x4096xf32, #tpu.memory_space<hbm>>
    %dma_start3A_245 = tpu.memref_squeeze %dma_start3A_244 : memref<1x4096xf32, #tpu.memory_space<hbm>> -> memref<4096xf32, #tpu.memory_space<hbm>>
    %dma_start3A_246 = arith.constant 12288 : i32
    %dma_start3A_247 = tpu.memref_slice %arg6[%add3A_119, %dma_start3A_246] : memref<64x16384xf32, #tpu.memory_space<hbm>> -> memref<1x4096xf32, #tpu.memory_space<hbm>>
    %dma_start3A_248 = tpu.memref_squeeze %dma_start3A_247 : memref<1x4096xf32, #tpu.memory_space<hbm>> -> memref<4096xf32, #tpu.memory_space<hbm>>
    %dma_start3A_249 = arith.constant 0 : i32
    %dma_start3A_250 = tpu.memref_slice %arg9[%dma_start3A_239, %dma_start3A_249] : memref<2x4096xf32, #tpu.memory_space<vmem>> -> memref<1x4096xf32, #tpu.memory_space<vmem>>
    %dma_start3A_251 = tpu.memref_squeeze %dma_start3A_250 : memref<1x4096xf32, #tpu.memory_space<vmem>> -> memref<4096xf32, #tpu.memory_space<vmem>>
    tpu.enqueue_dma source(%dma_start3A_251 : memref<4096xf32, #tpu.memory_space<vmem>>) target(%dma_start3A_248 : memref<4096xf32, #tpu.memory_space<hbm>>) target_semaphore(%arg12 : memref<!tpu.dma_semaphore, #tpu.memory_space<semaphore_mem>>)
    %mul3A_252 = arith.constant 2 : i32
    %mul3A_253 = arith.muli %add3A, %mul3A_252 : i32
    %add3A_254 = arith.constant 1 : i32
    %add3A_255 = arith.addi %mul3A_253, %add3A_254 : i32
    %dma_wait3A_256 = arith.constant 0 : i32
    %dma_wait3A_257 = tpu.memref_slice %arg3[%add3A_232, %dma_wait3A_256] : memref<64x100000xf32, #tpu.memory_space<hbm>> -> memref<1x100000xf32, #tpu.memory_space<hbm>>
    %dma_wait3A_258 = tpu.memref_squeeze %dma_wait3A_257 : memref<1x100000xf32, #tpu.memory_space<hbm>> -> memref<100000xf32, #tpu.memory_space<hbm>>
    %dma_wait3A_259 = arith.constant 0 : i32
    %dma_wait3A_260 = tpu.memref_slice %arg3[%add3A_232, %dma_wait3A_259] : memref<64x100000xf32, #tpu.memory_space<hbm>> -> memref<1x100000xf32, #tpu.memory_space<hbm>>
    %dma_wait3A_261 = tpu.memref_squeeze %dma_wait3A_260 : memref<1x100000xf32, #tpu.memory_space<hbm>> -> memref<100000xf32, #tpu.memory_space<hbm>>
    tpu.wait_dma2 semaphore(%arg10 : memref<!tpu.dma_semaphore, #tpu.memory_space<semaphore_mem>>) src(%dma_wait3A_261 : memref<100000xf32, #tpu.memory_space<hbm>>) dst(%arg7 : memref<100000xf32, #tpu.memory_space<vmem>>)
    %dma_wait3A_262 = arith.constant 0 : i32
    %dma_wait3A_263 = arith.constant 0 : i32
    %dma_wait3A_264 = tpu.memref_slice %arg9[%dma_wait3A_262, %dma_wait3A_263] : memref<2x4096xf32, #tpu.memory_space<vmem>> -> memref<1x4096xf32, #tpu.memory_space<vmem>>
    %dma_wait3A_265 = tpu.memref_squeeze %dma_wait3A_264 : memref<1x4096xf32, #tpu.memory_space<vmem>> -> memref<4096xf32, #tpu.memory_space<vmem>>
    %dma_wait3A_266 = arith.constant 8192 : i32
    %dma_wait3A_267 = tpu.memref_slice %arg6[%add3A_119, %dma_wait3A_266] : memref<64x16384xf32, #tpu.memory_space<hbm>> -> memref<1x4096xf32, #tpu.memory_space<hbm>>
    %dma_wait3A_268 = tpu.memref_squeeze %dma_wait3A_267 : memref<1x4096xf32, #tpu.memory_space<hbm>> -> memref<4096xf32, #tpu.memory_space<hbm>>
    %dma_wait3A_269 = arith.constant 8192 : i32
    %dma_wait3A_270 = tpu.memref_slice %arg6[%add3A_119, %dma_wait3A_269] : memref<64x16384xf32, #tpu.memory_space<hbm>> -> memref<1x4096xf32, #tpu.memory_space<hbm>>
    %dma_wait3A_271 = tpu.memref_squeeze %dma_wait3A_270 : memref<1x4096xf32, #tpu.memory_space<hbm>> -> memref<4096xf32, #tpu.memory_space<hbm>>
    %dma_wait3A_272 = arith.constant 0 : i32
    %dma_wait3A_273 = tpu.memref_slice %arg9[%dma_wait3A_262, %dma_wait3A_272] : memref<2x4096xf32, #tpu.memory_space<vmem>> -> memref<1x4096xf32, #tpu.memory_space<vmem>>
    %dma_wait3A_274 = tpu.memref_squeeze %dma_wait3A_273 : memref<1x4096xf32, #tpu.memory_space<vmem>> -> memref<4096xf32, #tpu.memory_space<vmem>>
    tpu.wait_dma2 semaphore(%arg11 : memref<!tpu.dma_semaphore, #tpu.memory_space<semaphore_mem>>) src(%dma_wait3A_274 : memref<4096xf32, #tpu.memory_space<vmem>>) dst(%dma_wait3A_271 : memref<4096xf32, #tpu.memory_space<hbm>>)
    %parallel_loop3A_275 = arith.constant 0 : i32
    %parallel_loop3A_276 = arith.constant 4096 : i32
    %parallel_loop3A_277 = arith.constant 16 : i32
    scf.for %parallel_loop3A_540 = %parallel_loop3A_275 to %parallel_loop3A_276 step %parallel_loop3A_277  : i32 {
      %parallel_loop3A_541 = arith.constant 0 : i32
      %parallel_loop3A_542 = arith.addi %parallel_loop3A_541, %parallel_loop3A_540 : i32
      %parallel_loop3A_543 = arith.index_cast %parallel_loop3A_542 : i32 to index
      %parallel_loop3A_544 = tpu.vector_load %arg8[%parallel_loop3A_543] {strides = array<i32>} : memref<16384xi32, #tpu.memory_space<vmem>>, vector<16xi32>,
      %parallel_loop3A_545 = tpu.vector_load_idx %arg7[%parallel_loop3A_544] : memref<100000xf32, #tpu.memory_space<vmem>>[vector<16xi32>], vector<16xf32>,
      %parallel_loop3A_546 = arith.constant 0 : i32
      %parallel_loop3A_547 = arith.index_cast %parallel_loop3A_546 : i32 to index
      %parallel_loop3A_548 = arith.index_cast %parallel_loop3A_540 : i32 to index
      %parallel_loop3A_549 = tpu.vector_load %arg9[%parallel_loop3A_547, %parallel_loop3A_548] {strides = array<i32>} : memref<2x4096xf32, #tpu.memory_space<vmem>>, vector<16xf32>,
      tpu.vector_store %arg9[%parallel_loop3A_547, %parallel_loop3A_548], %parallel_loop3A_545 {strides = array<i32>} : memref<2x4096xf32, #tpu.memory_space<vmem>>, vector<16xf32>,
    } {sc.loop_unroll_factor = 8 : i64, sc.parallel_access}
    %dma_start3A_278 = arith.constant 0 : i32
    %dma_start3A_279 = arith.constant 0 : i32
    %dma_start3A_280 = tpu.memref_slice %arg9[%dma_start3A_278, %dma_start3A_279] : memref<2x4096xf32, #tpu.memory_space<vmem>> -> memref<1x4096xf32, #tpu.memory_space<vmem>>
    %dma_start3A_281 = tpu.memref_squeeze %dma_start3A_280 : memref<1x4096xf32, #tpu.memory_space<vmem>> -> memref<4096xf32, #tpu.memory_space<vmem>>
    %dma_start3A_282 = arith.constant 0 : i32
    %dma_start3A_283 = tpu.memref_slice %arg5[%add3A_255, %dma_start3A_282] : memref<64x16384xf32, #tpu.memory_space<hbm>> -> memref<1x4096xf32, #tpu.memory_space<hbm>>
    %dma_start3A_284 = tpu.memref_squeeze %dma_start3A_283 : memref<1x4096xf32, #tpu.memory_space<hbm>> -> memref<4096xf32, #tpu.memory_space<hbm>>
    %dma_start3A_285 = arith.constant 0 : i32
    %dma_start3A_286 = tpu.memref_slice %arg5[%add3A_255, %dma_start3A_285] : memref<64x16384xf32, #tpu.memory_space<hbm>> -> memref<1x4096xf32, #tpu.memory_space<hbm>>
    %dma_start3A_287 = tpu.memref_squeeze %dma_start3A_286 : memref<1x4096xf32, #tpu.memory_space<hbm>> -> memref<4096xf32, #tpu.memory_space<hbm>>
    %dma_start3A_288 = arith.constant 0 : i32
    %dma_start3A_289 = tpu.memref_slice %arg9[%dma_start3A_278, %dma_start3A_288] : memref<2x4096xf32, #tpu.memory_space<vmem>> -> memref<1x4096xf32, #tpu.memory_space<vmem>>
    %dma_start3A_290 = tpu.memref_squeeze %dma_start3A_289 : memref<1x4096xf32, #tpu.memory_space<vmem>> -> memref<4096xf32, #tpu.memory_space<vmem>>
    tpu.enqueue_dma source(%dma_start3A_290 : memref<4096xf32, #tpu.memory_space<vmem>>) target(%dma_start3A_287 : memref<4096xf32, #tpu.memory_space<hbm>>) target_semaphore(%arg11 : memref<!tpu.dma_semaphore, #tpu.memory_space<semaphore_mem>>)
    %dma_wait3A_291 = arith.constant 1 : i32
    %dma_wait3A_292 = arith.constant 0 : i32
    %dma_wait3A_293 = tpu.memref_slice %arg9[%dma_wait3A_291, %dma_wait3A_292] : memref<2x4096xf32, #tpu.memory_space<vmem>> -> memref<1x4096xf32, #tpu.memory_space<vmem>>
    %dma_wait3A_294 = tpu.memref_squeeze %dma_wait3A_293 : memref<1x4096xf32, #tpu.memory_space<vmem>> -> memref<4096xf32, #tpu.memory_space<vmem>>
    %dma_wait3A_295 = arith.constant 12288 : i32
    %dma_wait3A_296 = tpu.memref_slice %arg6[%add3A_119, %dma_wait3A_295] : memref<64x16384xf32, #tpu.memory_space<hbm>> -> memref<1x4096xf32, #tpu.memory_space<hbm>>
    %dma_wait3A_297 = tpu.memref_squeeze %dma_wait3A_296 : memref<1x4096xf32, #tpu.memory_space<hbm>> -> memref<4096xf32, #tpu.memory_space<hbm>>
    %dma_wait3A_298 = arith.constant 12288 : i32
    %dma_wait3A_299 = tpu.memref_slice %arg6[%add3A_119, %dma_wait3A_298] : memref<64x16384xf32, #tpu.memory_space<hbm>> -> memref<1x4096xf32, #tpu.memory_space<hbm>>
    %dma_wait3A_300 = tpu.memref_squeeze %dma_wait3A_299 : memref<1x4096xf32, #tpu.memory_space<hbm>> -> memref<4096xf32, #tpu.memory_space<hbm>>
    %dma_wait3A_301 = arith.constant 0 : i32
    %dma_wait3A_302 = tpu.memref_slice %arg9[%dma_wait3A_291, %dma_wait3A_301] : memref<2x4096xf32, #tpu.memory_space<vmem>> -> memref<1x4096xf32, #tpu.memory_space<vmem>>
    %dma_wait3A_303 = tpu.memref_squeeze %dma_wait3A_302 : memref<1x4096xf32, #tpu.memory_space<vmem>> -> memref<4096xf32, #tpu.memory_space<vmem>>
    tpu.wait_dma2 semaphore(%arg12 : memref<!tpu.dma_semaphore, #tpu.memory_space<semaphore_mem>>) src(%dma_wait3A_303 : memref<4096xf32, #tpu.memory_space<vmem>>) dst(%dma_wait3A_300 : memref<4096xf32, #tpu.memory_space<hbm>>)
    %parallel_loop3A_304 = arith.constant 0 : i32
    %parallel_loop3A_305 = arith.constant 4096 : i32
    %parallel_loop3A_306 = arith.constant 16 : i32
    scf.for %parallel_loop3A_540 = %parallel_loop3A_304 to %parallel_loop3A_305 step %parallel_loop3A_306  : i32 {
      %parallel_loop3A_541 = arith.constant 4096 : i32
      %parallel_loop3A_542 = arith.addi %parallel_loop3A_541, %parallel_loop3A_540 : i32
      %parallel_loop3A_543 = arith.index_cast %parallel_loop3A_542 : i32 to index
      %parallel_loop3A_544 = tpu.vector_load %arg8[%parallel_loop3A_543] {strides = array<i32>} : memref<16384xi32, #tpu.memory_space<vmem>>, vector<16xi32>,
      %parallel_loop3A_545 = tpu.vector_load_idx %arg7[%parallel_loop3A_544] : memref<100000xf32, #tpu.memory_space<vmem>>[vector<16xi32>], vector<16xf32>,
      %parallel_loop3A_546 = arith.constant 1 : i32
      %parallel_loop3A_547 = arith.index_cast %parallel_loop3A_546 : i32 to index
      %parallel_loop3A_548 = arith.index_cast %parallel_loop3A_540 : i32 to index
      %parallel_loop3A_549 = tpu.vector_load %arg9[%parallel_loop3A_547, %parallel_loop3A_548] {strides = array<i32>} : memref<2x4096xf32, #tpu.memory_space<vmem>>, vector<16xf32>,
      tpu.vector_store %arg9[%parallel_loop3A_547, %parallel_loop3A_548], %parallel_loop3A_545 {strides = array<i32>} : memref<2x4096xf32, #tpu.memory_space<vmem>>, vector<16xf32>,
    } {sc.loop_unroll_factor = 8 : i64, sc.parallel_access}
    %dma_start3A_307 = arith.constant 1 : i32
    %dma_start3A_308 = arith.constant 0 : i32
    %dma_start3A_309 = tpu.memref_slice %arg9[%dma_start3A_307, %dma_start3A_308] : memref<2x4096xf32, #tpu.memory_space<vmem>> -> memref<1x4096xf32, #tpu.memory_space<vmem>>
    %dma_start3A_310 = tpu.memref_squeeze %dma_start3A_309 : memref<1x4096xf32, #tpu.memory_space<vmem>> -> memref<4096xf32, #tpu.memory_space<vmem>>
    %dma_start3A_311 = arith.constant 4096 : i32
    %dma_start3A_312 = tpu.memref_slice %arg5[%add3A_255, %dma_start3A_311] : memref<64x16384xf32, #tpu.memory_space<hbm>> -> memref<1x4096xf32, #tpu.memory_space<hbm>>
    %dma_start3A_313 = tpu.memref_squeeze %dma_start3A_312 : memref<1x4096xf32, #tpu.memory_space<hbm>> -> memref<4096xf32, #tpu.memory_space<hbm>>
    %dma_start3A_314 = arith.constant 4096 : i32
    %dma_start3A_315 = tpu.memref_slice %arg5[%add3A_255, %dma_start3A_314] : memref<64x16384xf32, #tpu.memory_space<hbm>> -> memref<1x4096xf32, #tpu.memory_space<hbm>>
    %dma_start3A_316 = tpu.memref_squeeze %dma_start3A_315 : memref<1x4096xf32, #tpu.memory_space<hbm>> -> memref<4096xf32, #tpu.memory_space<hbm>>
    %dma_start3A_317 = arith.constant 0 : i32
    %dma_start3A_318 = tpu.memref_slice %arg9[%dma_start3A_307, %dma_start3A_317] : memref<2x4096xf32, #tpu.memory_space<vmem>> -> memref<1x4096xf32, #tpu.memory_space<vmem>>
    %dma_start3A_319 = tpu.memref_squeeze %dma_start3A_318 : memref<1x4096xf32, #tpu.memory_space<vmem>> -> memref<4096xf32, #tpu.memory_space<vmem>>
    tpu.enqueue_dma source(%dma_start3A_319 : memref<4096xf32, #tpu.memory_space<vmem>>) target(%dma_start3A_316 : memref<4096xf32, #tpu.memory_space<hbm>>) target_semaphore(%arg12 : memref<!tpu.dma_semaphore, #tpu.memory_space<semaphore_mem>>)
    %dma_wait3A_320 = arith.constant 0 : i32
    %dma_wait3A_321 = arith.constant 0 : i32
    %dma_wait3A_322 = tpu.memref_slice %arg9[%dma_wait3A_320, %dma_wait3A_321] : memref<2x4096xf32, #tpu.memory_space<vmem>> -> memref<1x4096xf32, #tpu.memory_space<vmem>>
    %dma_wait3A_323 = tpu.memref_squeeze %dma_wait3A_322 : memref<1x4096xf32, #tpu.memory_space<vmem>> -> memref<4096xf32, #tpu.memory_space<vmem>>
    %dma_wait3A_324 = arith.constant 0 : i32
    %dma_wait3A_325 = tpu.memref_slice %arg5[%add3A_255, %dma_wait3A_324] : memref<64x16384xf32, #tpu.memory_space<hbm>> -> memref<1x4096xf32, #tpu.memory_space<hbm>>
    %dma_wait3A_326 = tpu.memref_squeeze %dma_wait3A_325 : memref<1x4096xf32, #tpu.memory_space<hbm>> -> memref<4096xf32, #tpu.memory_space<hbm>>
    %dma_wait3A_327 = arith.constant 0 : i32
    %dma_wait3A_328 = tpu.memref_slice %arg5[%add3A_255, %dma_wait3A_327] : memref<64x16384xf32, #tpu.memory_space<hbm>> -> memref<1x4096xf32, #tpu.memory_space<hbm>>
    %dma_wait3A_329 = tpu.memref_squeeze %dma_wait3A_328 : memref<1x4096xf32, #tpu.memory_space<hbm>> -> memref<4096xf32, #tpu.memory_space<hbm>>
    %dma_wait3A_330 = arith.constant 0 : i32
    %dma_wait3A_331 = tpu.memref_slice %arg9[%dma_wait3A_320, %dma_wait3A_330] : memref<2x4096xf32, #tpu.memory_space<vmem>> -> memref<1x4096xf32, #tpu.memory_space<vmem>>
    %dma_wait3A_332 = tpu.memref_squeeze %dma_wait3A_331 : memref<1x4096xf32, #tpu.memory_space<vmem>> -> memref<4096xf32, #tpu.memory_space<vmem>>
    tpu.wait_dma2 semaphore(%arg11 : memref<!tpu.dma_semaphore, #tpu.memory_space<semaphore_mem>>) src(%dma_wait3A_332 : memref<4096xf32, #tpu.memory_space<vmem>>) dst(%dma_wait3A_329 : memref<4096xf32, #tpu.memory_space<hbm>>)
    %parallel_loop3A_333 = arith.constant 0 : i32
    %parallel_loop3A_334 = arith.constant 4096 : i32
    %parallel_loop3A_335 = arith.constant 16 : i32
    scf.for %parallel_loop3A_540 = %parallel_loop3A_333 to %parallel_loop3A_334 step %parallel_loop3A_335  : i32 {
      %parallel_loop3A_541 = arith.constant 8192 : i32
      %parallel_loop3A_542 = arith.addi %parallel_loop3A_541, %parallel_loop3A_540 : i32
      %parallel_loop3A_543 = arith.index_cast %parallel_loop3A_542 : i32 to index
      %parallel_loop3A_544 = tpu.vector_load %arg8[%parallel_loop3A_543] {strides = array<i32>} : memref<16384xi32, #tpu.memory_space<vmem>>, vector<16xi32>,
      %parallel_loop3A_545 = tpu.vector_load_idx %arg7[%parallel_loop3A_544] : memref<100000xf32, #tpu.memory_space<vmem>>[vector<16xi32>], vector<16xf32>,
      %parallel_loop3A_546 = arith.constant 0 : i32
      %parallel_loop3A_547 = arith.index_cast %parallel_loop3A_546 : i32 to index
      %parallel_loop3A_548 = arith.index_cast %parallel_loop3A_540 : i32 to index
      %parallel_loop3A_549 = tpu.vector_load %arg9[%parallel_loop3A_547, %parallel_loop3A_548] {strides = array<i32>} : memref<2x4096xf32, #tpu.memory_space<vmem>>, vector<16xf32>,
      tpu.vector_store %arg9[%parallel_loop3A_547, %parallel_loop3A_548], %parallel_loop3A_545 {strides = array<i32>} : memref<2x4096xf32, #tpu.memory_space<vmem>>, vector<16xf32>,
    } {sc.loop_unroll_factor = 8 : i64, sc.parallel_access}
    %dma_start3A_336 = arith.constant 0 : i32
    %dma_start3A_337 = arith.constant 0 : i32
    %dma_start3A_338 = tpu.memref_slice %arg9[%dma_start3A_336, %dma_start3A_337] : memref<2x4096xf32, #tpu.memory_space<vmem>> -> memref<1x4096xf32, #tpu.memory_space<vmem>>
    %dma_start3A_339 = tpu.memref_squeeze %dma_start3A_338 : memref<1x4096xf32, #tpu.memory_space<vmem>> -> memref<4096xf32, #tpu.memory_space<vmem>>
    %dma_start3A_340 = arith.constant 8192 : i32
    %dma_start3A_341 = tpu.memref_slice %arg5[%add3A_255, %dma_start3A_340] : memref<64x16384xf32, #tpu.memory_space<hbm>> -> memref<1x4096xf32, #tpu.memory_space<hbm>>
    %dma_start3A_342 = tpu.memref_squeeze %dma_start3A_341 : memref<1x4096xf32, #tpu.memory_space<hbm>> -> memref<4096xf32, #tpu.memory_space<hbm>>
    %dma_start3A_343 = arith.constant 8192 : i32
    %dma_start3A_344 = tpu.memref_slice %arg5[%add3A_255, %dma_start3A_343] : memref<64x16384xf32, #tpu.memory_space<hbm>> -> memref<1x4096xf32, #tpu.memory_space<hbm>>
    %dma_start3A_345 = tpu.memref_squeeze %dma_start3A_344 : memref<1x4096xf32, #tpu.memory_space<hbm>> -> memref<4096xf32, #tpu.memory_space<hbm>>
    %dma_start3A_346 = arith.constant 0 : i32
    %dma_start3A_347 = tpu.memref_slice %arg9[%dma_start3A_336, %dma_start3A_346] : memref<2x4096xf32, #tpu.memory_space<vmem>> -> memref<1x4096xf32, #tpu.memory_space<vmem>>
    %dma_start3A_348 = tpu.memref_squeeze %dma_start3A_347 : memref<1x4096xf32, #tpu.memory_space<vmem>> -> memref<4096xf32, #tpu.memory_space<vmem>>
    tpu.enqueue_dma source(%dma_start3A_348 : memref<4096xf32, #tpu.memory_space<vmem>>) target(%dma_start3A_345 : memref<4096xf32, #tpu.memory_space<hbm>>) target_semaphore(%arg11 : memref<!tpu.dma_semaphore, #tpu.memory_space<semaphore_mem>>)
    %dma_wait3A_349 = arith.constant 1 : i32
    %dma_wait3A_350 = arith.constant 0 : i32
    %dma_wait3A_351 = tpu.memref_slice %arg9[%dma_wait3A_349, %dma_wait3A_350] : memref<2x4096xf32, #tpu.memory_space<vmem>> -> memref<1x4096xf32, #tpu.memory_space<vmem>>
    %dma_wait3A_352 = tpu.memref_squeeze %dma_wait3A_351 : memref<1x4096xf32, #tpu.memory_space<vmem>> -> memref<4096xf32, #tpu.memory_space<vmem>>
    %dma_wait3A_353 = arith.constant 4096 : i32
    %dma_wait3A_354 = tpu.memref_slice %arg5[%add3A_255, %dma_wait3A_353] : memref<64x16384xf32, #tpu.memory_space<hbm>> -> memref<1x4096xf32, #tpu.memory_space<hbm>>
    %dma_wait3A_355 = tpu.memref_squeeze %dma_wait3A_354 : memref<1x4096xf32, #tpu.memory_space<hbm>> -> memref<4096xf32, #tpu.memory_space<hbm>>
    %dma_wait3A_356 = arith.constant 4096 : i32
    %dma_wait3A_357 = tpu.memref_slice %arg5[%add3A_255, %dma_wait3A_356] : memref<64x16384xf32, #tpu.memory_space<hbm>> -> memref<1x4096xf32, #tpu.memory_space<hbm>>
    %dma_wait3A_358 = tpu.memref_squeeze %dma_wait3A_357 : memref<1x4096xf32, #tpu.memory_space<hbm>> -> memref<4096xf32, #tpu.memory_space<hbm>>
    %dma_wait3A_359 = arith.constant 0 : i32
    %dma_wait3A_360 = tpu.memref_slice %arg9[%dma_wait3A_349, %dma_wait3A_359] : memref<2x4096xf32, #tpu.memory_space<vmem>> -> memref<1x4096xf32, #tpu.memory_space<vmem>>
    %dma_wait3A_361 = tpu.memref_squeeze %dma_wait3A_360 : memref<1x4096xf32, #tpu.memory_space<vmem>> -> memref<4096xf32, #tpu.memory_space<vmem>>
    tpu.wait_dma2 semaphore(%arg12 : memref<!tpu.dma_semaphore, #tpu.memory_space<semaphore_mem>>) src(%dma_wait3A_361 : memref<4096xf32, #tpu.memory_space<vmem>>) dst(%dma_wait3A_358 : memref<4096xf32, #tpu.memory_space<hbm>>)
    %parallel_loop3A_362 = arith.constant 0 : i32
    %parallel_loop3A_363 = arith.constant 4096 : i32
    %parallel_loop3A_364 = arith.constant 16 : i32
    scf.for %parallel_loop3A_540 = %parallel_loop3A_362 to %parallel_loop3A_363 step %parallel_loop3A_364  : i32 {
      %parallel_loop3A_541 = arith.constant 12288 : i32
      %parallel_loop3A_542 = arith.addi %parallel_loop3A_541, %parallel_loop3A_540 : i32
      %parallel_loop3A_543 = arith.index_cast %parallel_loop3A_542 : i32 to index
      %parallel_loop3A_544 = tpu.vector_load %arg8[%parallel_loop3A_543] {strides = array<i32>} : memref<16384xi32, #tpu.memory_space<vmem>>, vector<16xi32>,
      %parallel_loop3A_545 = tpu.vector_load_idx %arg7[%parallel_loop3A_544] : memref<100000xf32, #tpu.memory_space<vmem>>[vector<16xi32>], vector<16xf32>,
      %parallel_loop3A_546 = arith.constant 1 : i32
      %parallel_loop3A_547 = arith.index_cast %parallel_loop3A_546 : i32 to index
      %parallel_loop3A_548 = arith.index_cast %parallel_loop3A_540 : i32 to index
      %parallel_loop3A_549 = tpu.vector_load %arg9[%parallel_loop3A_547, %parallel_loop3A_548] {strides = array<i32>} : memref<2x4096xf32, #tpu.memory_space<vmem>>, vector<16xf32>,
      tpu.vector_store %arg9[%parallel_loop3A_547, %parallel_loop3A_548], %parallel_loop3A_545 {strides = array<i32>} : memref<2x4096xf32, #tpu.memory_space<vmem>>, vector<16xf32>,
    } {sc.loop_unroll_factor = 8 : i64, sc.parallel_access}
    %mul3A_365 = arith.constant 2 : i32
    %mul3A_366 = arith.muli %add3A, %mul3A_365 : i32
    %add3A_367 = arith.constant 1 : i32
    %add3A_368 = arith.addi %mul3A_366, %add3A_367 : i32
    %dma_start3A_369 = arith.constant 0 : i32
    %dma_start3A_370 = tpu.memref_slice %arg4[%add3A_368, %dma_start3A_369] : memref<64x100000xf32, #tpu.memory_space<hbm>> -> memref<1x100000xf32, #tpu.memory_space<hbm>>
    %dma_start3A_371 = tpu.memref_squeeze %dma_start3A_370 : memref<1x100000xf32, #tpu.memory_space<hbm>> -> memref<100000xf32, #tpu.memory_space<hbm>>
    %dma_start3A_372 = arith.constant 0 : i32
    %dma_start3A_373 = tpu.memref_slice %arg4[%add3A_368, %dma_start3A_372] : memref<64x100000xf32, #tpu.memory_space<hbm>> -> memref<1x100000xf32, #tpu.memory_space<hbm>>
    %dma_start3A_374 = tpu.memref_squeeze %dma_start3A_373 : memref<1x100000xf32, #tpu.memory_space<hbm>> -> memref<100000xf32, #tpu.memory_space<hbm>>
    tpu.enqueue_dma source(%dma_start3A_374 : memref<100000xf32, #tpu.memory_space<hbm>>) target(%arg7 : memref<100000xf32, #tpu.memory_space<vmem>>) target_semaphore(%arg10 : memref<!tpu.dma_semaphore, #tpu.memory_space<semaphore_mem>>)
    %dma_start3A_375 = arith.constant 1 : i32
    %dma_start3A_376 = arith.constant 0 : i32
    %dma_start3A_377 = tpu.memref_slice %arg9[%dma_start3A_375, %dma_start3A_376] : memref<2x4096xf32, #tpu.memory_space<vmem>> -> memref<1x4096xf32, #tpu.memory_space<vmem>>
    %dma_start3A_378 = tpu.memref_squeeze %dma_start3A_377 : memref<1x4096xf32, #tpu.memory_space<vmem>> -> memref<4096xf32, #tpu.memory_space<vmem>>
    %dma_start3A_379 = arith.constant 12288 : i32
    %dma_start3A_380 = tpu.memref_slice %arg5[%add3A_255, %dma_start3A_379] : memref<64x16384xf32, #tpu.memory_space<hbm>> -> memref<1x4096xf32, #tpu.memory_space<hbm>>
    %dma_start3A_381 = tpu.memref_squeeze %dma_start3A_380 : memref<1x4096xf32, #tpu.memory_space<hbm>> -> memref<4096xf32, #tpu.memory_space<hbm>>
    %dma_start3A_382 = arith.constant 12288 : i32
    %dma_start3A_383 = tpu.memref_slice %arg5[%add3A_255, %dma_start3A_382] : memref<64x16384xf32, #tpu.memory_space<hbm>> -> memref<1x4096xf32, #tpu.memory_space<hbm>>
    %dma_start3A_384 = tpu.memref_squeeze %dma_start3A_383 : memref<1x4096xf32, #tpu.memory_space<hbm>> -> memref<4096xf32, #tpu.memory_space<hbm>>
    %dma_start3A_385 = arith.constant 0 : i32
    %dma_start3A_386 = tpu.memref_slice %arg9[%dma_start3A_375, %dma_start3A_385] : memref<2x4096xf32, #tpu.memory_space<vmem>> -> memref<1x4096xf32, #tpu.memory_space<vmem>>
    %dma_start3A_387 = tpu.memref_squeeze %dma_start3A_386 : memref<1x4096xf32, #tpu.memory_space<vmem>> -> memref<4096xf32, #tpu.memory_space<vmem>>
    tpu.enqueue_dma source(%dma_start3A_387 : memref<4096xf32, #tpu.memory_space<vmem>>) target(%dma_start3A_384 : memref<4096xf32, #tpu.memory_space<hbm>>) target_semaphore(%arg12 : memref<!tpu.dma_semaphore, #tpu.memory_space<semaphore_mem>>)
    %mul3A_388 = arith.constant 2 : i32
    %mul3A_389 = arith.muli %add3A, %mul3A_388 : i32
    %add3A_390 = arith.constant 1 : i32
    %add3A_391 = arith.addi %mul3A_389, %add3A_390 : i32
    %dma_wait3A_392 = arith.constant 0 : i32
    %dma_wait3A_393 = tpu.memref_slice %arg4[%add3A_368, %dma_wait3A_392] : memref<64x100000xf32, #tpu.memory_space<hbm>> -> memref<1x100000xf32, #tpu.memory_space<hbm>>
    %dma_wait3A_394 = tpu.memref_squeeze %dma_wait3A_393 : memref<1x100000xf32, #tpu.memory_space<hbm>> -> memref<100000xf32, #tpu.memory_space<hbm>>
    %dma_wait3A_395 = arith.constant 0 : i32
    %dma_wait3A_396 = tpu.memref_slice %arg4[%add3A_368, %dma_wait3A_395] : memref<64x100000xf32, #tpu.memory_space<hbm>> -> memref<1x100000xf32, #tpu.memory_space<hbm>>
    %dma_wait3A_397 = tpu.memref_squeeze %dma_wait3A_396 : memref<1x100000xf32, #tpu.memory_space<hbm>> -> memref<100000xf32, #tpu.memory_space<hbm>>
    tpu.wait_dma2 semaphore(%arg10 : memref<!tpu.dma_semaphore, #tpu.memory_space<semaphore_mem>>) src(%dma_wait3A_397 : memref<100000xf32, #tpu.memory_space<hbm>>) dst(%arg7 : memref<100000xf32, #tpu.memory_space<vmem>>)
    %dma_wait3A_398 = arith.constant 0 : i32
    %dma_wait3A_399 = arith.constant 0 : i32
    %dma_wait3A_400 = tpu.memref_slice %arg9[%dma_wait3A_398, %dma_wait3A_399] : memref<2x4096xf32, #tpu.memory_space<vmem>> -> memref<1x4096xf32, #tpu.memory_space<vmem>>
    %dma_wait3A_401 = tpu.memref_squeeze %dma_wait3A_400 : memref<1x4096xf32, #tpu.memory_space<vmem>> -> memref<4096xf32, #tpu.memory_space<vmem>>
    %dma_wait3A_402 = arith.constant 8192 : i32
    %dma_wait3A_403 = tpu.memref_slice %arg5[%add3A_255, %dma_wait3A_402] : memref<64x16384xf32, #tpu.memory_space<hbm>> -> memref<1x4096xf32, #tpu.memory_space<hbm>>
    %dma_wait3A_404 = tpu.memref_squeeze %dma_wait3A_403 : memref<1x4096xf32, #tpu.memory_space<hbm>> -> memref<4096xf32, #tpu.memory_space<hbm>>
    %dma_wait3A_405 = arith.constant 8192 : i32
    %dma_wait3A_406 = tpu.memref_slice %arg5[%add3A_255, %dma_wait3A_405] : memref<64x16384xf32, #tpu.memory_space<hbm>> -> memref<1x4096xf32, #tpu.memory_space<hbm>>
    %dma_wait3A_407 = tpu.memref_squeeze %dma_wait3A_406 : memref<1x4096xf32, #tpu.memory_space<hbm>> -> memref<4096xf32, #tpu.memory_space<hbm>>
    %dma_wait3A_408 = arith.constant 0 : i32
    %dma_wait3A_409 = tpu.memref_slice %arg9[%dma_wait3A_398, %dma_wait3A_408] : memref<2x4096xf32, #tpu.memory_space<vmem>> -> memref<1x4096xf32, #tpu.memory_space<vmem>>
    %dma_wait3A_410 = tpu.memref_squeeze %dma_wait3A_409 : memref<1x4096xf32, #tpu.memory_space<vmem>> -> memref<4096xf32, #tpu.memory_space<vmem>>
    tpu.wait_dma2 semaphore(%arg11 : memref<!tpu.dma_semaphore, #tpu.memory_space<semaphore_mem>>) src(%dma_wait3A_410 : memref<4096xf32, #tpu.memory_space<vmem>>) dst(%dma_wait3A_407 : memref<4096xf32, #tpu.memory_space<hbm>>)
    %parallel_loop3A_411 = arith.constant 0 : i32
    %parallel_loop3A_412 = arith.constant 4096 : i32
    %parallel_loop3A_413 = arith.constant 16 : i32
    scf.for %parallel_loop3A_540 = %parallel_loop3A_411 to %parallel_loop3A_412 step %parallel_loop3A_413  : i32 {
      %parallel_loop3A_541 = arith.constant 0 : i32
      %parallel_loop3A_542 = arith.addi %parallel_loop3A_541, %parallel_loop3A_540 : i32
      %parallel_loop3A_543 = arith.index_cast %parallel_loop3A_542 : i32 to index
      %parallel_loop3A_544 = tpu.vector_load %arg8[%parallel_loop3A_543] {strides = array<i32>} : memref<16384xi32, #tpu.memory_space<vmem>>, vector<16xi32>,
      %parallel_loop3A_545 = tpu.vector_load_idx %arg7[%parallel_loop3A_544] : memref<100000xf32, #tpu.memory_space<vmem>>[vector<16xi32>], vector<16xf32>,
      %parallel_loop3A_546 = arith.constant 0 : i32
      %parallel_loop3A_547 = arith.index_cast %parallel_loop3A_546 : i32 to index
      %parallel_loop3A_548 = arith.index_cast %parallel_loop3A_540 : i32 to index
      %parallel_loop3A_549 = tpu.vector_load %arg9[%parallel_loop3A_547, %parallel_loop3A_548] {strides = array<i32>} : memref<2x4096xf32, #tpu.memory_space<vmem>>, vector<16xf32>,
      tpu.vector_store %arg9[%parallel_loop3A_547, %parallel_loop3A_548], %parallel_loop3A_545 {strides = array<i32>} : memref<2x4096xf32, #tpu.memory_space<vmem>>, vector<16xf32>,
    } {sc.loop_unroll_factor = 8 : i64, sc.parallel_access}
    %dma_start3A_414 = arith.constant 0 : i32
    %dma_start3A_415 = arith.constant 0 : i32
    %dma_start3A_416 = tpu.memref_slice %arg9[%dma_start3A_414, %dma_start3A_415] : memref<2x4096xf32, #tpu.memory_space<vmem>> -> memref<1x4096xf32, #tpu.memory_space<vmem>>
    %dma_start3A_417 = tpu.memref_squeeze %dma_start3A_416 : memref<1x4096xf32, #tpu.memory_space<vmem>> -> memref<4096xf32, #tpu.memory_space<vmem>>
    %dma_start3A_418 = arith.constant 0 : i32
    %dma_start3A_419 = tpu.memref_slice %arg6[%add3A_391, %dma_start3A_418] : memref<64x16384xf32, #tpu.memory_space<hbm>> -> memref<1x4096xf32, #tpu.memory_space<hbm>>
    %dma_start3A_420 = tpu.memref_squeeze %dma_start3A_419 : memref<1x4096xf32, #tpu.memory_space<hbm>> -> memref<4096xf32, #tpu.memory_space<hbm>>
    %dma_start3A_421 = arith.constant 0 : i32
    %dma_start3A_422 = tpu.memref_slice %arg6[%add3A_391, %dma_start3A_421] : memref<64x16384xf32, #tpu.memory_space<hbm>> -> memref<1x4096xf32, #tpu.memory_space<hbm>>
    %dma_start3A_423 = tpu.memref_squeeze %dma_start3A_422 : memref<1x4096xf32, #tpu.memory_space<hbm>> -> memref<4096xf32, #tpu.memory_space<hbm>>
    %dma_start3A_424 = arith.constant 0 : i32
    %dma_start3A_425 = tpu.memref_slice %arg9[%dma_start3A_414, %dma_start3A_424] : memref<2x4096xf32, #tpu.memory_space<vmem>> -> memref<1x4096xf32, #tpu.memory_space<vmem>>
    %dma_start3A_426 = tpu.memref_squeeze %dma_start3A_425 : memref<1x4096xf32, #tpu.memory_space<vmem>> -> memref<4096xf32, #tpu.memory_space<vmem>>
    tpu.enqueue_dma source(%dma_start3A_426 : memref<4096xf32, #tpu.memory_space<vmem>>) target(%dma_start3A_423 : memref<4096xf32, #tpu.memory_space<hbm>>) target_semaphore(%arg11 : memref<!tpu.dma_semaphore, #tpu.memory_space<semaphore_mem>>)
    %dma_wait3A_427 = arith.constant 1 : i32
    %dma_wait3A_428 = arith.constant 0 : i32
    %dma_wait3A_429 = tpu.memref_slice %arg9[%dma_wait3A_427, %dma_wait3A_428] : memref<2x4096xf32, #tpu.memory_space<vmem>> -> memref<1x4096xf32, #tpu.memory_space<vmem>>
    %dma_wait3A_430 = tpu.memref_squeeze %dma_wait3A_429 : memref<1x4096xf32, #tpu.memory_space<vmem>> -> memref<4096xf32, #tpu.memory_space<vmem>>
    %dma_wait3A_431 = arith.constant 12288 : i32
    %dma_wait3A_432 = tpu.memref_slice %arg5[%add3A_255, %dma_wait3A_431] : memref<64x16384xf32, #tpu.memory_space<hbm>> -> memref<1x4096xf32, #tpu.memory_space<hbm>>
    %dma_wait3A_433 = tpu.memref_squeeze %dma_wait3A_432 : memref<1x4096xf32, #tpu.memory_space<hbm>> -> memref<4096xf32, #tpu.memory_space<hbm>>
    %dma_wait3A_434 = arith.constant 12288 : i32
    %dma_wait3A_435 = tpu.memref_slice %arg5[%add3A_255, %dma_wait3A_434] : memref<64x16384xf32, #tpu.memory_space<hbm>> -> memref<1x4096xf32, #tpu.memory_space<hbm>>
    %dma_wait3A_436 = tpu.memref_squeeze %dma_wait3A_435 : memref<1x4096xf32, #tpu.memory_space<hbm>> -> memref<4096xf32, #tpu.memory_space<hbm>>
    %dma_wait3A_437 = arith.constant 0 : i32
    %dma_wait3A_438 = tpu.memref_slice %arg9[%dma_wait3A_427, %dma_wait3A_437] : memref<2x4096xf32, #tpu.memory_space<vmem>> -> memref<1x4096xf32, #tpu.memory_space<vmem>>
    %dma_wait3A_439 = tpu.memref_squeeze %dma_wait3A_438 : memref<1x4096xf32, #tpu.memory_space<vmem>> -> memref<4096xf32, #tpu.memory_space<vmem>>
    tpu.wait_dma2 semaphore(%arg12 : memref<!tpu.dma_semaphore, #tpu.memory_space<semaphore_mem>>) src(%dma_wait3A_439 : memref<4096xf32, #tpu.memory_space<vmem>>) dst(%dma_wait3A_436 : memref<4096xf32, #tpu.memory_space<hbm>>)
    %parallel_loop3A_440 = arith.constant 0 : i32
    %parallel_loop3A_441 = arith.constant 4096 : i32
    %parallel_loop3A_442 = arith.constant 16 : i32
    scf.for %parallel_loop3A_540 = %parallel_loop3A_440 to %parallel_loop3A_441 step %parallel_loop3A_442  : i32 {
      %parallel_loop3A_541 = arith.constant 4096 : i32
      %parallel_loop3A_542 = arith.addi %parallel_loop3A_541, %parallel_loop3A_540 : i32
      %parallel_loop3A_543 = arith.index_cast %parallel_loop3A_542 : i32 to index
      %parallel_loop3A_544 = tpu.vector_load %arg8[%parallel_loop3A_543] {strides = array<i32>} : memref<16384xi32, #tpu.memory_space<vmem>>, vector<16xi32>,
      %parallel_loop3A_545 = tpu.vector_load_idx %arg7[%parallel_loop3A_544] : memref<100000xf32, #tpu.memory_space<vmem>>[vector<16xi32>], vector<16xf32>,
      %parallel_loop3A_546 = arith.constant 1 : i32
      %parallel_loop3A_547 = arith.index_cast %parallel_loop3A_546 : i32 to index
      %parallel_loop3A_548 = arith.index_cast %parallel_loop3A_540 : i32 to index
      %parallel_loop3A_549 = tpu.vector_load %arg9[%parallel_loop3A_547, %parallel_loop3A_548] {strides = array<i32>} : memref<2x4096xf32, #tpu.memory_space<vmem>>, vector<16xf32>,
      tpu.vector_store %arg9[%parallel_loop3A_547, %parallel_loop3A_548], %parallel_loop3A_545 {strides = array<i32>} : memref<2x4096xf32, #tpu.memory_space<vmem>>, vector<16xf32>,
    } {sc.loop_unroll_factor = 8 : i64, sc.parallel_access}
    %dma_start3A_443 = arith.constant 1 : i32
    %dma_start3A_444 = arith.constant 0 : i32
    %dma_start3A_445 = tpu.memref_slice %arg9[%dma_start3A_443, %dma_start3A_444] : memref<2x4096xf32, #tpu.memory_space<vmem>> -> memref<1x4096xf32, #tpu.memory_space<vmem>>
    %dma_start3A_446 = tpu.memref_squeeze %dma_start3A_445 : memref<1x4096xf32, #tpu.memory_space<vmem>> -> memref<4096xf32, #tpu.memory_space<vmem>>
    %dma_start3A_447 = arith.constant 4096 : i32
    %dma_start3A_448 = tpu.memref_slice %arg6[%add3A_391, %dma_start3A_447] : memref<64x16384xf32, #tpu.memory_space<hbm>> -> memref<1x4096xf32, #tpu.memory_space<hbm>>
    %dma_start3A_449 = tpu.memref_squeeze %dma_start3A_448 : memref<1x4096xf32, #tpu.memory_space<hbm>> -> memref<4096xf32, #tpu.memory_space<hbm>>
    %dma_start3A_450 = arith.constant 4096 : i32
    %dma_start3A_451 = tpu.memref_slice %arg6[%add3A_391, %dma_start3A_450] : memref<64x16384xf32, #tpu.memory_space<hbm>> -> memref<1x4096xf32, #tpu.memory_space<hbm>>
    %dma_start3A_452 = tpu.memref_squeeze %dma_start3A_451 : memref<1x4096xf32, #tpu.memory_space<hbm>> -> memref<4096xf32, #tpu.memory_space<hbm>>
    %dma_start3A_453 = arith.constant 0 : i32
    %dma_start3A_454 = tpu.memref_slice %arg9[%dma_start3A_443, %dma_start3A_453] : memref<2x4096xf32, #tpu.memory_space<vmem>> -> memref<1x4096xf32, #tpu.memory_space<vmem>>
    %dma_start3A_455 = tpu.memref_squeeze %dma_start3A_454 : memref<1x4096xf32, #tpu.memory_space<vmem>> -> memref<4096xf32, #tpu.memory_space<vmem>>
    tpu.enqueue_dma source(%dma_start3A_455 : memref<4096xf32, #tpu.memory_space<vmem>>) target(%dma_start3A_452 : memref<4096xf32, #tpu.memory_space<hbm>>) target_semaphore(%arg12 : memref<!tpu.dma_semaphore, #tpu.memory_space<semaphore_mem>>)
    %dma_wait3A_456 = arith.constant 0 : i32
    %dma_wait3A_457 = arith.constant 0 : i32
    %dma_wait3A_458 = tpu.memref_slice %arg9[%dma_wait3A_456, %dma_wait3A_457] : memref<2x4096xf32, #tpu.memory_space<vmem>> -> memref<1x4096xf32, #tpu.memory_space<vmem>>
    %dma_wait3A_459 = tpu.memref_squeeze %dma_wait3A_458 : memref<1x4096xf32, #tpu.memory_space<vmem>> -> memref<4096xf32, #tpu.memory_space<vmem>>
    %dma_wait3A_460 = arith.constant 0 : i32
    %dma_wait3A_461 = tpu.memref_slice %arg6[%add3A_391, %dma_wait3A_460] : memref<64x16384xf32, #tpu.memory_space<hbm>> -> memref<1x4096xf32, #tpu.memory_space<hbm>>
    %dma_wait3A_462 = tpu.memref_squeeze %dma_wait3A_461 : memref<1x4096xf32, #tpu.memory_space<hbm>> -> memref<4096xf32, #tpu.memory_space<hbm>>
    %dma_wait3A_463 = arith.constant 0 : i32
    %dma_wait3A_464 = tpu.memref_slice %arg6[%add3A_391, %dma_wait3A_463] : memref<64x16384xf32, #tpu.memory_space<hbm>> -> memref<1x4096xf32, #tpu.memory_space<hbm>>
    %dma_wait3A_465 = tpu.memref_squeeze %dma_wait3A_464 : memref<1x4096xf32, #tpu.memory_space<hbm>> -> memref<4096xf32, #tpu.memory_space<hbm>>
    %dma_wait3A_466 = arith.constant 0 : i32
    %dma_wait3A_467 = tpu.memref_slice %arg9[%dma_wait3A_456, %dma_wait3A_466] : memref<2x4096xf32, #tpu.memory_space<vmem>> -> memref<1x4096xf32, #tpu.memory_space<vmem>>
    %dma_wait3A_468 = tpu.memref_squeeze %dma_wait3A_467 : memref<1x4096xf32, #tpu.memory_space<vmem>> -> memref<4096xf32, #tpu.memory_space<vmem>>
    tpu.wait_dma2 semaphore(%arg11 : memref<!tpu.dma_semaphore, #tpu.memory_space<semaphore_mem>>) src(%dma_wait3A_468 : memref<4096xf32, #tpu.memory_space<vmem>>) dst(%dma_wait3A_465 : memref<4096xf32, #tpu.memory_space<hbm>>)
    %parallel_loop3A_469 = arith.constant 0 : i32
    %parallel_loop3A_470 = arith.constant 4096 : i32
    %parallel_loop3A_471 = arith.constant 16 : i32
    scf.for %parallel_loop3A_540 = %parallel_loop3A_469 to %parallel_loop3A_470 step %parallel_loop3A_471  : i32 {
      %parallel_loop3A_541 = arith.constant 8192 : i32
      %parallel_loop3A_542 = arith.addi %parallel_loop3A_541, %parallel_loop3A_540 : i32
      %parallel_loop3A_543 = arith.index_cast %parallel_loop3A_542 : i32 to index
      %parallel_loop3A_544 = tpu.vector_load %arg8[%parallel_loop3A_543] {strides = array<i32>} : memref<16384xi32, #tpu.memory_space<vmem>>, vector<16xi32>,
      %parallel_loop3A_545 = tpu.vector_load_idx %arg7[%parallel_loop3A_544] : memref<100000xf32, #tpu.memory_space<vmem>>[vector<16xi32>], vector<16xf32>,
      %parallel_loop3A_546 = arith.constant 0 : i32
      %parallel_loop3A_547 = arith.index_cast %parallel_loop3A_546 : i32 to index
      %parallel_loop3A_548 = arith.index_cast %parallel_loop3A_540 : i32 to index
      %parallel_loop3A_549 = tpu.vector_load %arg9[%parallel_loop3A_547, %parallel_loop3A_548] {strides = array<i32>} : memref<2x4096xf32, #tpu.memory_space<vmem>>, vector<16xf32>,
      tpu.vector_store %arg9[%parallel_loop3A_547, %parallel_loop3A_548], %parallel_loop3A_545 {strides = array<i32>} : memref<2x4096xf32, #tpu.memory_space<vmem>>, vector<16xf32>,
    } {sc.loop_unroll_factor = 8 : i64, sc.parallel_access}
    %dma_start3A_472 = arith.constant 0 : i32
    %dma_start3A_473 = arith.constant 0 : i32
    %dma_start3A_474 = tpu.memref_slice %arg9[%dma_start3A_472, %dma_start3A_473] : memref<2x4096xf32, #tpu.memory_space<vmem>> -> memref<1x4096xf32, #tpu.memory_space<vmem>>
    %dma_start3A_475 = tpu.memref_squeeze %dma_start3A_474 : memref<1x4096xf32, #tpu.memory_space<vmem>> -> memref<4096xf32, #tpu.memory_space<vmem>>
    %dma_start3A_476 = arith.constant 8192 : i32
    %dma_start3A_477 = tpu.memref_slice %arg6[%add3A_391, %dma_start3A_476] : memref<64x16384xf32, #tpu.memory_space<hbm>> -> memref<1x4096xf32, #tpu.memory_space<hbm>>
    %dma_start3A_478 = tpu.memref_squeeze %dma_start3A_477 : memref<1x4096xf32, #tpu.memory_space<hbm>> -> memref<4096xf32, #tpu.memory_space<hbm>>
    %dma_start3A_479 = arith.constant 8192 : i32
    %dma_start3A_480 = tpu.memref_slice %arg6[%add3A_391, %dma_start3A_479] : memref<64x16384xf32, #tpu.memory_space<hbm>> -> memref<1x4096xf32, #tpu.memory_space<hbm>>
    %dma_start3A_481 = tpu.memref_squeeze %dma_start3A_480 : memref<1x4096xf32, #tpu.memory_space<hbm>> -> memref<4096xf32, #tpu.memory_space<hbm>>
    %dma_start3A_482 = arith.constant 0 : i32
    %dma_start3A_483 = tpu.memref_slice %arg9[%dma_start3A_472, %dma_start3A_482] : memref<2x4096xf32, #tpu.memory_space<vmem>> -> memref<1x4096xf32, #tpu.memory_space<vmem>>
    %dma_start3A_484 = tpu.memref_squeeze %dma_start3A_483 : memref<1x4096xf32, #tpu.memory_space<vmem>> -> memref<4096xf32, #tpu.memory_space<vmem>>
    tpu.enqueue_dma source(%dma_start3A_484 : memref<4096xf32, #tpu.memory_space<vmem>>) target(%dma_start3A_481 : memref<4096xf32, #tpu.memory_space<hbm>>) target_semaphore(%arg11 : memref<!tpu.dma_semaphore, #tpu.memory_space<semaphore_mem>>)
    %dma_wait3A_485 = arith.constant 1 : i32
    %dma_wait3A_486 = arith.constant 0 : i32
    %dma_wait3A_487 = tpu.memref_slice %arg9[%dma_wait3A_485, %dma_wait3A_486] : memref<2x4096xf32, #tpu.memory_space<vmem>> -> memref<1x4096xf32, #tpu.memory_space<vmem>>
    %dma_wait3A_488 = tpu.memref_squeeze %dma_wait3A_487 : memref<1x4096xf32, #tpu.memory_space<vmem>> -> memref<4096xf32, #tpu.memory_space<vmem>>
    %dma_wait3A_489 = arith.constant 4096 : i32
    %dma_wait3A_490 = tpu.memref_slice %arg6[%add3A_391, %dma_wait3A_489] : memref<64x16384xf32, #tpu.memory_space<hbm>> -> memref<1x4096xf32, #tpu.memory_space<hbm>>
    %dma_wait3A_491 = tpu.memref_squeeze %dma_wait3A_490 : memref<1x4096xf32, #tpu.memory_space<hbm>> -> memref<4096xf32, #tpu.memory_space<hbm>>
    %dma_wait3A_492 = arith.constant 4096 : i32
    %dma_wait3A_493 = tpu.memref_slice %arg6[%add3A_391, %dma_wait3A_492] : memref<64x16384xf32, #tpu.memory_space<hbm>> -> memref<1x4096xf32, #tpu.memory_space<hbm>>
    %dma_wait3A_494 = tpu.memref_squeeze %dma_wait3A_493 : memref<1x4096xf32, #tpu.memory_space<hbm>> -> memref<4096xf32, #tpu.memory_space<hbm>>
    %dma_wait3A_495 = arith.constant 0 : i32
    %dma_wait3A_496 = tpu.memref_slice %arg9[%dma_wait3A_485, %dma_wait3A_495] : memref<2x4096xf32, #tpu.memory_space<vmem>> -> memref<1x4096xf32, #tpu.memory_space<vmem>>
    %dma_wait3A_497 = tpu.memref_squeeze %dma_wait3A_496 : memref<1x4096xf32, #tpu.memory_space<vmem>> -> memref<4096xf32, #tpu.memory_space<vmem>>
    tpu.wait_dma2 semaphore(%arg12 : memref<!tpu.dma_semaphore, #tpu.memory_space<semaphore_mem>>) src(%dma_wait3A_497 : memref<4096xf32, #tpu.memory_space<vmem>>) dst(%dma_wait3A_494 : memref<4096xf32, #tpu.memory_space<hbm>>)
    %parallel_loop3A_498 = arith.constant 0 : i32
    %parallel_loop3A_499 = arith.constant 4096 : i32
    %parallel_loop3A_500 = arith.constant 16 : i32
    scf.for %parallel_loop3A_540 = %parallel_loop3A_498 to %parallel_loop3A_499 step %parallel_loop3A_500  : i32 {
      %parallel_loop3A_541 = arith.constant 12288 : i32
      %parallel_loop3A_542 = arith.addi %parallel_loop3A_541, %parallel_loop3A_540 : i32
      %parallel_loop3A_543 = arith.index_cast %parallel_loop3A_542 : i32 to index
      %parallel_loop3A_544 = tpu.vector_load %arg8[%parallel_loop3A_543] {strides = array<i32>} : memref<16384xi32, #tpu.memory_space<vmem>>, vector<16xi32>,
      %parallel_loop3A_545 = tpu.vector_load_idx %arg7[%parallel_loop3A_544] : memref<100000xf32, #tpu.memory_space<vmem>>[vector<16xi32>], vector<16xf32>,
      %parallel_loop3A_546 = arith.constant 1 : i32
      %parallel_loop3A_547 = arith.index_cast %parallel_loop3A_546 : i32 to index
      %parallel_loop3A_548 = arith.index_cast %parallel_loop3A_540 : i32 to index
      %parallel_loop3A_549 = tpu.vector_load %arg9[%parallel_loop3A_547, %parallel_loop3A_548] {strides = array<i32>} : memref<2x4096xf32, #tpu.memory_space<vmem>>, vector<16xf32>,
      tpu.vector_store %arg9[%parallel_loop3A_547, %parallel_loop3A_548], %parallel_loop3A_545 {strides = array<i32>} : memref<2x4096xf32, #tpu.memory_space<vmem>>, vector<16xf32>,
    } {sc.loop_unroll_factor = 8 : i64, sc.parallel_access}
    %dma_start3A_501 = arith.constant 1 : i32
    %dma_start3A_502 = arith.constant 0 : i32
    %dma_start3A_503 = tpu.memref_slice %arg9[%dma_start3A_501, %dma_start3A_502] : memref<2x4096xf32, #tpu.memory_space<vmem>> -> memref<1x4096xf32, #tpu.memory_space<vmem>>
    %dma_start3A_504 = tpu.memref_squeeze %dma_start3A_503 : memref<1x4096xf32, #tpu.memory_space<vmem>> -> memref<4096xf32, #tpu.memory_space<vmem>>
    %dma_start3A_505 = arith.constant 12288 : i32
    %dma_start3A_506 = tpu.memref_slice %arg6[%add3A_391, %dma_start3A_505] : memref<64x16384xf32, #tpu.memory_space<hbm>> -> memref<1x4096xf32, #tpu.memory_space<hbm>>
    %dma_start3A_507 = tpu.memref_squeeze %dma_start3A_506 : memref<1x4096xf32, #tpu.memory_space<hbm>> -> memref<4096xf32, #tpu.memory_space<hbm>>
    %dma_start3A_508 = arith.constant 12288 : i32
    %dma_start3A_509 = tpu.memref_slice %arg6[%add3A_391, %dma_start3A_508] : memref<64x16384xf32, #tpu.memory_space<hbm>> -> memref<1x4096xf32, #tpu.memory_space<hbm>>
    %dma_start3A_510 = tpu.memref_squeeze %dma_start3A_509 : memref<1x4096xf32, #tpu.memory_space<hbm>> -> memref<4096xf32, #tpu.memory_space<hbm>>
    %dma_start3A_511 = arith.constant 0 : i32
    %dma_start3A_512 = tpu.memref_slice %arg9[%dma_start3A_501, %dma_start3A_511] : memref<2x4096xf32, #tpu.memory_space<vmem>> -> memref<1x4096xf32, #tpu.memory_space<vmem>>
    %dma_start3A_513 = tpu.memref_squeeze %dma_start3A_512 : memref<1x4096xf32, #tpu.memory_space<vmem>> -> memref<4096xf32, #tpu.memory_space<vmem>>
    tpu.enqueue_dma source(%dma_start3A_513 : memref<4096xf32, #tpu.memory_space<vmem>>) target(%dma_start3A_510 : memref<4096xf32, #tpu.memory_space<hbm>>) target_semaphore(%arg12 : memref<!tpu.dma_semaphore, #tpu.memory_space<semaphore_mem>>)
    %dma_wait3A_514 = arith.constant 0 : i32
    %dma_wait3A_515 = arith.constant 0 : i32
    %dma_wait3A_516 = tpu.memref_slice %arg9[%dma_wait3A_514, %dma_wait3A_515] : memref<2x4096xf32, #tpu.memory_space<vmem>> -> memref<1x4096xf32, #tpu.memory_space<vmem>>
    %dma_wait3A_517 = tpu.memref_squeeze %dma_wait3A_516 : memref<1x4096xf32, #tpu.memory_space<vmem>> -> memref<4096xf32, #tpu.memory_space<vmem>>
    %dma_wait3A_518 = arith.constant 8192 : i32
    %dma_wait3A_519 = tpu.memref_slice %arg6[%add3A_391, %dma_wait3A_518] : memref<64x16384xf32, #tpu.memory_space<hbm>> -> memref<1x4096xf32, #tpu.memory_space<hbm>>
    %dma_wait3A_520 = tpu.memref_squeeze %dma_wait3A_519 : memref<1x4096xf32, #tpu.memory_space<hbm>> -> memref<4096xf32, #tpu.memory_space<hbm>>
    %dma_wait3A_521 = arith.constant 8192 : i32
    %dma_wait3A_522 = tpu.memref_slice %arg6[%add3A_391, %dma_wait3A_521] : memref<64x16384xf32, #tpu.memory_space<hbm>> -> memref<1x4096xf32, #tpu.memory_space<hbm>>
    %dma_wait3A_523 = tpu.memref_squeeze %dma_wait3A_522 : memref<1x4096xf32, #tpu.memory_space<hbm>> -> memref<4096xf32, #tpu.memory_space<hbm>>
    %dma_wait3A_524 = arith.constant 0 : i32
    %dma_wait3A_525 = tpu.memref_slice %arg9[%dma_wait3A_514, %dma_wait3A_524] : memref<2x4096xf32, #tpu.memory_space<vmem>> -> memref<1x4096xf32, #tpu.memory_space<vmem>>
    %dma_wait3A_526 = tpu.memref_squeeze %dma_wait3A_525 : memref<1x4096xf32, #tpu.memory_space<vmem>> -> memref<4096xf32, #tpu.memory_space<vmem>>
    tpu.wait_dma2 semaphore(%arg11 : memref<!tpu.dma_semaphore, #tpu.memory_space<semaphore_mem>>) src(%dma_wait3A_526 : memref<4096xf32, #tpu.memory_space<vmem>>) dst(%dma_wait3A_523 : memref<4096xf32, #tpu.memory_space<hbm>>)
    %dma_wait3A_527 = arith.constant 1 : i32
    %dma_wait3A_528 = arith.constant 0 : i32
    %dma_wait3A_529 = tpu.memref_slice %arg9[%dma_wait3A_527, %dma_wait3A_528] : memref<2x4096xf32, #tpu.memory_space<vmem>> -> memref<1x4096xf32, #tpu.memory_space<vmem>>
    %dma_wait3A_530 = tpu.memref_squeeze %dma_wait3A_529 : memref<1x4096xf32, #tpu.memory_space<vmem>> -> memref<4096xf32, #tpu.memory_space<vmem>>
    %dma_wait3A_531 = arith.constant 12288 : i32
    %dma_wait3A_532 = tpu.memref_slice %arg6[%add3A_391, %dma_wait3A_531] : memref<64x16384xf32, #tpu.memory_space<hbm>> -> memref<1x4096xf32, #tpu.memory_space<hbm>>
    %dma_wait3A_533 = tpu.memref_squeeze %dma_wait3A_532 : memref<1x4096xf32, #tpu.memory_space<hbm>> -> memref<4096xf32, #tpu.memory_space<hbm>>
    %dma_wait3A_534 = arith.constant 12288 : i32
    %dma_wait3A_535 = tpu.memref_slice %arg6[%add3A_391, %dma_wait3A_534] : memref<64x16384xf32, #tpu.memory_space<hbm>> -> memref<1x4096xf32, #tpu.memory_space<hbm>>
    %dma_wait3A_536 = tpu.memref_squeeze %dma_wait3A_535 : memref<1x4096xf32, #tpu.memory_space<hbm>> -> memref<4096xf32, #tpu.memory_space<hbm>>
    %dma_wait3A_537 = arith.constant 0 : i32
    %dma_wait3A_538 = tpu.memref_slice %arg9[%dma_wait3A_527, %dma_wait3A_537] : memref<2x4096xf32, #tpu.memory_space<vmem>> -> memref<1x4096xf32, #tpu.memory_space<vmem>>
    %dma_wait3A_539 = tpu.memref_squeeze %dma_wait3A_538 : memref<1x4096xf32, #tpu.memory_space<vmem>> -> memref<4096xf32, #tpu.memory_space<vmem>>
    tpu.wait_dma2 semaphore(%arg12 : memref<!tpu.dma_semaphore, #tpu.memory_space<semaphore_mem>>) src(%dma_wait3A_539 : memref<4096xf32, #tpu.memory_space<vmem>>) dst(%dma_wait3A_536 : memref<4096xf32, #tpu.memory_space<hbm>>)
    return
  }
}

module attributes {stable_mosaic.version = 14 : i64} {
  func.func @body(%arg0: i32, %arg1: memref<64x4096xf32, #tpu.memory_space<vmem>>, %arg2: memref<64x4096xf32, #tpu.memory_space<vmem>>, %arg3: memref<64x4096xf32, #tpu.memory_space<vmem>>, %arg4: memref<1x1x4096xf32, #tpu.memory_space<vmem>>) attributes {dimension_semantics = [#tpu.dimension_semantics<arbitrary>], iteration_bounds = array<i64: 4>, scalar_prefetch = 0 : i64, scratch_operands = 0 : i64, tpu.core_type = #tpu.core_type<tc>, window_params = [{transform_indices = @transform_0, window_bounds = array<i64: 64, 4096>}, {transform_indices = @transform_1, window_bounds = array<i64: 64, 4096>}, {transform_indices = @transform_2, window_bounds = array<i64: 64, 4096>}, {transform_indices = @transform_3, window_bounds = array<i64: 1, 1, 4096>}]} {
    %get3A = arith.constant 0 : index
    %get3A_0 = arith.constant 0 : index
    %get3A_1 = vector.load %arg1[%get3A, %get3A_0] : memref<64x4096xf32, #tpu.memory_space<vmem>>, vector<64x4096xf32>
    %get3A_2 = arith.constant 0 : index
    %get3A_3 = arith.constant 0 : index
    %get3A_4 = vector.load %arg2[%get3A_2, %get3A_3] : memref<64x4096xf32, #tpu.memory_space<vmem>>, vector<64x4096xf32>
    %get3A_5 = arith.constant 0 : index
    %get3A_6 = arith.constant 0 : index
    %get3A_7 = vector.load %arg3[%get3A_5, %get3A_6] : memref<64x4096xf32, #tpu.memory_space<vmem>>, vector<64x4096xf32>
    %max3A = arith.constant 0.00999999977 : f32
    %max3A_8 = vector.broadcast %max3A : f32 to vector<64x4096xf32>
    %max3A_9 = arith.maximumf %get3A_7, %max3A_8 : vector<64x4096xf32>
    %sub3A = arith.subf %get3A_1, %get3A_4 : vector<64x4096xf32>
    %div3A = arith.divf %sub3A, %max3A_9 : vector<64x4096xf32>
    %mul3A = arith.mulf %div3A, %div3A : vector<64x4096xf32>
    %mul3A_10 = arith.constant -5.000000e-01 : f32
    %mul3A_11 = vector.broadcast %mul3A_10 : f32 to vector<64x4096xf32>
    %mul3A_12 = arith.mulf %mul3A_11, %mul3A : vector<64x4096xf32>
    %log3A = math.log %max3A_9 : vector<64x4096xf32>
    %sub3A_13 = arith.subf %mul3A_12, %log3A : vector<64x4096xf32>
    %reduce_sum3A = arith.constant dense<0.000000e+00> : vector<4096xf32>
    %reduce_sum3A_14 = vector.multi_reduction <add>, %sub3A_13, %reduce_sum3A [0] : vector<64x4096xf32> to vector<4096xf32>
    %sub3A_15 = arith.constant 58.8120651 : f32
    %sub3A_16 = vector.broadcast %sub3A_15 : f32 to vector<4096xf32>
    %sub3A_17 = arith.subf %reduce_sum3A_14, %sub3A_16 : vector<4096xf32>
    %swap3A = arith.constant 0 : index
    %swap3A_18 = arith.constant 0 : index
    %swap3A_19 = arith.constant 0 : index
    %swap3A_20 = vector.load %arg4[%swap3A, %swap3A_18, %swap3A_19] : memref<1x1x4096xf32, #tpu.memory_space<vmem>>, vector<1x1x4096xf32>
    %swap3A_21 = vector.shape_cast %swap3A_20 : vector<1x1x4096xf32> to vector<4096xf32>
    %swap3A_22 = vector.shape_cast %sub3A_17 : vector<4096xf32> to vector<1x1x4096xf32>
    tpu.vector_store %arg4[%swap3A, %swap3A_18, %swap3A_19], %swap3A_22 {strides = array<i32>} : memref<1x1x4096xf32, #tpu.memory_space<vmem>>, vector<1x1x4096xf32>,
    return
  }
  func.func @transform_0(%arg0: i32) -> (i32, i32) {
    %c0_i32 = arith.constant 0 : i32
    %c0_i32_0 = arith.constant 0 : i32
    return %c0_i32, %arg0 : i32, i32
  }
  func.func @transform_1(%arg0: i32) -> (i32, i32) {
    %c0_i32 = arith.constant 0 : i32
    %c0_i32_0 = arith.constant 0 : i32
    return %c0_i32, %arg0 : i32, i32
  }
  func.func @transform_2(%arg0: i32) -> (i32, i32) {
    %c0_i32 = arith.constant 0 : i32
    %c0_i32_0 = arith.constant 0 : i32
    return %c0_i32, %arg0 : i32, i32
  }
  func.func @transform_3(%arg0: i32) -> (i32, i32, i32) {
    %c0_i32 = arith.constant 0 : i32
    %c0_i32_0 = arith.constant 0 : i32
    %c0_i32_1 = arith.constant 0 : i32
    return %arg0, %c0_i32, %c0_i32_0 : i32, i32, i32
  }
}

</mosaic_0001>

<sc_bundles>
// kernel: kernel.4.cloned.1.call-start
scs
__scs_entry_jumppad:
0x0: {  	(pc) =	sbr.rel $0x88, $3  }
0x1: {  	(tag) =	ssettag $0x0;
	lr =	simm.s32 $0x1  }
0x2: {  	[smem:$0x3F9D] =	sst lr;
	_ =	strace $0xD0000000  }
0x3: {  	_ = 	snop  }
0x4: {  	_ = 	snop  }
0x5: {  	_ = 	snop  }
0x6: {  	_ = 	snop  }
0x7: {  	_ = 	snop  }
__scs_overlays_trampoline_lowered:
0x8: {  	[smem:$0x3FAC] =	sst s0  }
0x9: {  	[smem:$0x3FAD] =	sst s1  }
0xa: {  	[smem:$0x3FAE] =	sst s2  }
0xb: {  	[smem:$0x3FAF] =	sst s3  }
0xc: {  	[smem:$0x3FB0] =	sst s4  }
0xd: {  	[smem:$0x3FB1] =	sst s5  }
0xe: {  	[smem:$0x3FB2] =	sst s6  }
0xf: {  	[smem:$0x3FB3] =	sst s7  }
0x10: {  	[smem:$0x3FB4] =	sst s8  }
0x11: {  	[smem:$0x3FB5] =	sst s9;
	s0 =	simm.s32 @!p0 $0x0  }
0x12: {  	s1 =	sld [smem:$0x3F9B];
	s0 =	simm.s32 @p0 $0x1  }
0x13: {  	[smem:$0x3FB6] =	sst s0;
	s0 =	simm.s32 @!p1 $0x0  }
0x14: {  	s2 =	sld [smem:$0x3F9A];
	s0 =	simm.s32 @p1 $0x1  }
0x15: {  	[smem:$0x3FB7] =	sst s0;
	s0 =	simm.s32 @!p2 $0x0  }
0x16: {  	s3 =	sld [smem:$0x3FDB];
	s0 =	simm.s32 @p2 $0x1  }
0x17: {  	s4 =	simm.s32 $0x1BF5;
	[smem:$0x3FB9] =	sst s0  }
0x18: {  	s0 =	sld [smem:$0x3F9C];
	_ =	swait.ge [sflag:s4], $0x0  }
0x19: {  	s7 =	sld [smem:$0x3F9D]  }
0x1a: {  	s8 =	sadd.s32 $0xFFFFE003, lr  }
0x1b: {  	s9 =	sadd.s32 $0xFFFFFEF7, lr;
	s5 =	simm.s32 $0xFFFFFFFF;
	p2 =	slt.u32 s8, $0xFFFFF086  }
0x1c: {  	p1 =	slt.u32 s9, $0xF7A;
	s5 =	simm.s32 @!p2 $0x0  }
0x1d: {  	s5 =	simm.s32 @p1 $0x1;
	p0 =	seq.s32 s7, s2  }
0x1e: {  	s7 =	smul.u32 @!p0 $0xF7A, s2;
	p2 =	seq.s32 @!p0 s5, $0x0  }
0x1f: {  	s9 =	smul.u32 $0xF7A, s1;
	s8 =	simm.s32 @!p0 $0x1BF5;
	p2 =	por !p2, p0  }
0x20: {  	[sflag:s8] =	ssyncset.s32 @!p0 $0xFFFFF086;
	s6 =	sadd.s32 @!p0 s3, s7;
	s7 =	simm.s32 @!p0 $0x108  }
0x21: {  	s3 =	sadd.s32 s3, s9;
	s6 =	sadd.s32 @!p0 $0x88, s6;
	s7 =	simm.s32 @p2 $0x1082  }
0x22: {  	[simem:s7], [sflag:s8] =	dma.local @!p0 [hbm:s6], $0xF7A  }
0x23: {  	s9 =	sor.u32 $0xD0000000, s2;
	s6 =	simm.s32 $0x108;
	_ =	swait.ge @!p0 [sflag:s8], $0x0  }
0x24: {  	s3 =	sadd.s32 $0x88, s3;
	s6 =	simm.s32 @!p1 $0x1082;
	[sflag:s4] =	ssyncset.s32 $0xFFFFF086  }
0x25: {  	[simem:s6], [sflag:s4] =	dma.local [hbm:s3], $0xF7A  }
0x26: {  	[smem:$0x3F9D] =	sst s1;
	(tag) =	ssettag s2;
	_ =	strace s9  }
0x27: {  	s1 =	sld [smem:$0x3FAD]  }
0x28: {  	s2 =	sld [smem:$0x3FAE]  }
0x29: {  	s4 =	sld [smem:$0x3FB0]  }
0x2a: {  	p0 =	seq.s32 s5, $0x0;
	s5 =	sld [smem:$0x3FB1]  }
0x2b: {  	s6 =	sld [smem:$0x3FB2]  }
0x2c: {  	s7 =	sld [smem:$0x3FB3]  }
0x2d: {  	s3 =	simm.s32 $0x108;
	s8 =	sld [smem:$0x3FB4]  }
0x2e: {  	s3 =	simm.s32 @!p0 $0x1082;
	s9 =	sld [smem:$0x3FB5]  }
0x2f: {  	lr =	sadd.s32 s0, s3;
	s0 =	sld [smem:$0x3FAC]  }
0x30: {  	s3 =	sld [smem:$0x3FAF]  }
0x31: {  	[smem:$0x3FB8] =	sst s10  }
0x32: {  	s10 =	sld [smem:$0x3FB6];
	_ =	sdelay $0x3  }
0x33: {  	p0 =	seq.s32 s10, $0x1;
	s10 =	sld [smem:$0x3FB8];
	_ =	sdelay $0x3  }
0x34: {  	[smem:$0x3FB8] =	sst s10  }
0x35: {  	s10 =	sld [smem:$0x3FB7];
	_ =	sdelay $0x3  }
0x36: {  	p1 =	seq.s32 s10, $0x1;
	s10 =	sld [smem:$0x3FB8];
	_ =	sdelay $0x3  }
0x37: {  	[smem:$0x3FB8] =	sst s10  }
0x38: {  	s10 =	sld [smem:$0x3FB9]  }
0x39: {  	_ = 	snop;
	(pc) =	sbr.ind lr, $3  }
0x3a: {  	_ = 	snop  }
0x3b: {  	_ = 	snop  }
0x3c: {  	p2 =	seq.s32 s10, $0x1;
	s10 =	sld [smem:$0x3FB8]  }
0x3d: {  	_ =	shalt  }
0x3e: {  	_ =	shalt  }
0x3f: {  	_ =	shalt  }
0x40: {  	_ =	shalt  }
0x41: {  	_ =	shalt  }
0x42: {  	_ =	shalt  }
0x43: {  	_ =	shalt  }
0x44: {  	_ =	shalt  }
0x45: {  	_ =	shalt  }
0x46: {  	_ =	shalt  }
0x47: {  	_ =	shalt  }
0x48: {  	_ =	shalt  }
0x49: {  	_ =	shalt  }
0x4a: {  	_ =	shalt  }
0x4b: {  	_ =	shalt  }
0x4c: {  	_ =	shalt  }
0x4d: {  	_ =	shalt  }
0x4e: {  	_ =	shalt  }
0x4f: {  	_ =	shalt  }
0x50: {  	_ =	shalt  }
0x51: {  	_ =	shalt  }
0x52: {  	_ =	shalt  }
0x53: {  	_ =	shalt  }
0x54: {  	_ =	shalt  }
0x55: {  	_ =	shalt  }
0x56: {  	_ =	shalt  }
0x57: {  	_ =	shalt  }
0x58: {  	_ =	shalt  }
0x59: {  	_ =	shalt  }
0x5a: {  	_ =	shalt  }
0x5b: {  	_ =	shalt  }
0x5c: {  	_ =	shalt  }
0x5d: {  	_ =	shalt  }
0x5e: {  	_ =	shalt  }
0x5f: {  	_ =	shalt  }
0x60: {  	_ =	shalt  }
0x61: {  	_ =	shalt  }
0x62: {  	_ =	shalt  }
0x63: {  	_ =	shalt  }
0x64: {  	_ =	shalt  }
0x65: {  	_ =	shalt  }
0x66: {  	_ =	shalt  }
0x67: {  	_ =	shalt  }
0x68: {  	_ =	shalt  }
0x69: {  	_ =	shalt  }
0x6a: {  	_ =	shalt  }
0x6b: {  	_ =	shalt  }
0x6c: {  	_ =	shalt  }
0x6d: {  	_ =	shalt  }
0x6e: {  	_ =	shalt  }
0x6f: {  	_ =	shalt  }
0x70: {  	_ =	shalt  }
0x71: {  	_ =	shalt  }
0x72: {  	_ =	shalt  }
0x73: {  	_ =	shalt  }
0x74: {  	_ =	shalt  }
0x75: {  	_ =	shalt  }
0x76: {  	_ =	shalt  }
0x77: {  	_ =	shalt  }
0x78: {  	_ =	shalt  }
0x79: {  	_ =	shalt  }
0x7a: {  	_ =	shalt  }
0x7b: {  	_ =	shalt  }
0x7c: {  	_ =	shalt  }
0x7d: {  	_ =	shalt  }
0x7e: {  	_ =	shalt  }
0x7f: {  	_ =	shalt  }
0x80: {  	_ =	shalt  }
0x81: {  	_ =	shalt  }
0x82: {  	_ =	shalt  }
0x83: {  	_ =	shalt  }
0x84: {  	_ =	shalt  }
0x85: {  	_ =	shalt  }
0x86: {  	_ =	shalt  }
0x87: {  	_ =	shalt  }
.Lfunc_end0:
.L_simem_size_0:
called_computation_lowered:
.L_overlay_start_0:
0x88: {  	s2 =	sld [smem:$0x3FD9]  }
0x89: {  	s3 =	sld [smem:$0x3FFE];
	_ =	sdelay $0x1  }
0x8a: {  	s1 =	srdreg.scid  }
0x8b: {  	s0 =	sand.u32 $0x1, s1  }
0x8c: {  	s17 =	sshll.u32 s0, $0xA;
	s2 =	sadd.s32 s3, s2  }
0x8d: {  	s2 =	sadd.s32 s2, s17  }
0x8e: {  	[smem:$0x3FC4] =	sst s2  }
0x8f: {  	_ = 	snop  }
0x90: {  	s2 =	sld [smem:$0x3FC8]  }
0x91: {  	s18 =	sld [smem:$0x3FC7]  }
0x92: {  	s4 =	sld [smem:$0x3FC6];
	(tm) =	ssettm $0x1  }
0x93: {  	s5 =	sld [smem:$0x3FFB];
	_ =	sdelay $0x3  }
0x94: {  	_ =	strace s5  }
0x95: {  	s5 =	sld [smem:$0x3FFC];
	_ =	sdelay $0x3  }
0x96: {  	_ =	strace s5  }
0x97: {  	s5 =	sld [smem:$0x3FFD];
	_ =	sdelay $0x3  }
0x98: {  	_ =	strace s5  }
0x99: {  	_ =	strace $0x8FFFFFFF  }
0x9a: {  	s19 =	sld [smem:$0x3FDB];
	_ =	sdelay $0x1  }
0x9b: {  	s6 =	simm.s32 $_scs_section_size  }
0x9c: {  	s7 =	simm.s32 $_size__tile_overlayer_lowered;
	s8 =	simm.s32 $_tile_overlayer_lowered  }
0x9d: {  	s22 =	simm.s32 $0x1BFF;
	s21 =	sshll.u32 s8, $0x1;
	s5 =	sadd.s32 s6, s19  }
0x9e: {  	s9 =	simm.s32 $0x0;
	s20 =	sshll.u32 s7, $0x1;
	s7 =	sadd.s32 s21, s5  }
0x9f: {  	[timem:s9], [sflag:s22] =	dma.local [hbm:s7], s20  }
0xa0: {  	_ =	swait.ge [sflag:s22], s20  }
0xa1: {  	s6 =	ssub.s32 $0x0, s20;
	[sflag:s22] =	ssyncset.done $0x0  }
0xa2: {  	[sflag:s22] =	ssyncadd.s32 s6;
	_ =	sdelay $0x1  }
0xa3: {  	s23 =	simm.s32 $0x1B8B  }
0xa4: {  	_ =	swait.ge [sflag:s23], $0x1  }
0xa5: {  	[sflag:s23] =	ssyncset.done $0x0  }
0xa6: {  	s25 =	simm.s32 $0x1B8E;
	s24 =	sld [smem:$0x3FFE];
	[sflag:s23] =	ssyncadd.s32 $0xFFFFFFFF  }
0xa7: {  	s26 =	simm.s32 $execute0_lowered;
	[smem:$0x3FD2] =	sst s25  }
0xa8: {  	s7 =	sshll.u32 s26, $0x1;
	_ =	strace $0x80000046;
	[dreg:$0x1] =	wrdreg $0xFFFFFFFF  }
0xa9: {  	s28 =	simm.s32 $_size_execute0_lowered;
	s5 =	sadd.s32 s5, s7;
	[dreg:$0x0] =	wrdreg $0x0  }
0xaa: {  	s7 =	sshll.u32 s28, $0x1;
	[dreg:$0x2] =	wrdreg s5  }
0xab: {  	[dreg:$0x3] =	wrdreg s7  }
0xac: {  	[dreg:$0x4] =	wrdreg $0xC0  }
0xad: {  	_ =	task [dreg:s9], $0x5FFFF  }
0xae: {  	[dreg:$0x1] =	wrdreg $0xFFFFFFFF  }
0xaf: {  	[dreg:$0x0] =	wrdreg $0x60  }
0xb0: {  	[dreg:$0x2] =	wrdreg s2  }
0xb1: {  	[dreg:$0x3] =	wrdreg s18  }
0xb2: {  	[dreg:$0x4] =	wrdreg s4  }
0xb3: {  	[dreg:$0x5] =	wrdreg s24  }
0xb4: {  	[dreg:$0x6] =	wrdreg $0x9  }
0xb5: {  	_ =	task.clear_ibuf [dreg:s9], $0x7FFFF;
	_ =	strace $0x90000046  }
0xb6: {  	s29 =	simm.s32 $0x9;
	_ =	strace $0x80000048  }
0xb7: {  	_ =	swait.ge [sflag:s29], $0x1  }
0xb8: {  	[sflag:s29] =	ssyncadd.s32 $0xFFFFFFFF  }
0xb9: {  	_ =	strace $0x90000048  }
0xba: {  	_ =	sfence  }
0xbb: {  	s30 =	sld [smem:$0x0];
	_ =	sdelay $0x2  }
0xbc: {  	s31 =	sshll.u32 s1, $0xD;
	s1 =	sshrl.u32 s1, $0x2  }
0xbd: {  	s3 =	sand.u32 $0x4000, s31;
	s1 =	sadd.s32 s1, s30  }
0xbe: {  	s0 =	sor.u32 s3, s0;
	s1 =	sshll.u32 s1, $0x11  }
0xbf: {  	s0 =	sor.u32 s1, s0  }
0xc0: {  	s0 =	sadd.s32 $0x8F2B, s0  }
0xc1: {  	[sflag:s0] =	ssyncadd.remote.s32 $0x1  }
0xc2: {  	_ =	sfence.sel $0xFFFF  }
0xc3: {  	[dreg:$0x0] =	wrdreg $0xFFFFFFFF;
	(pc) =	sbr.abs _section_cstart, $3  }
0xc4: {  	[dreg:$0x1] =	wrdreg $0xFFFFFFFF  }
0xc5: {  	_ =	task.clear_ibuf [dreg:s9], $0x2FFFF;
	_ =	strace $0x9FFFFFFF  }
0xc6: {  	(tm) =	ssettm $0x7FFFFFFF  }
0xc7: {  	_ =	shalt  }
tec
execute0_lowered:
.L_overlay_start_1:
0x0: {  	(tag) =	ssettag $0x1  }
0x1: {  	s0 =	rddreg [dreg:$0x1]  }
0x2: {  	s1 =	rddreg [dreg:$0x2]  }
0x3: {  	s2 =	rddreg [dreg:$0x3]  }
0x4: {  	s3 =	simm.s32 $0x0;
	s4 =	srdreg.scid;
	s6 =	stileid.u32  }
0x5: {  	s29 =	simm.s32 $0x4;
	s30 =	simm.s32 $0x1;
	s31 =	simm.s32 $0x2  }
0x6: {  	[smem:$0x7FF] =	sst s3;
	s4 =	sand.u32 $0x1, s4;
	s5 =	sshll.u32 s6, $0x9  }
0x7: {  	s6 =	sshrl.u32 s6, $0x1;
	s19 =	sadd.s32 $0xE00, s2;
	s2 =	sadd.s32 $0x20E00, s2  }
0x8: {  	s7 =	sshll.u32 s4, $0x8;
	s5 =	sand.u32 $0x200, s5;
	s8 =	smul.u32 $0xC3800, s6  }
0x9: {  	_ =	strace $0x80000047;
	s4 =	ssub.s32 $0x2, s4;
	s10 =	sor.u32 s7, s5  }
0xa: {  	s11 =	sshll.u32 s6, $0x11;
	s22 =	sshrl.u32 s4, $0x1;
	s5 =	sor.u32 s8, s10  }
0xb: {  	s23 =	sor.u32 s11, s10;
	s4 =	ssub.s32 s4, s22;
	s16 =	sor.u32 $0x80, s10  }
0xc: {  	s9 =	sshrl.u32 s5, $0x3;
	s12 =	sshrl.u32 s23, $0x3;
	s8 =	sor.u32 s8, s16  }
0xd: {  	s25 =	sor.u32 s11, s16;
	s24 =	sadd.s32 s0, s9;
	s5 =	sadd.s32 s19, s12  }
0xe: {  	s13 =	sor.u32 $0x1000, s12;
	s14 =	sor.u32 $0x2000, s12;
	s15 =	sor.u32 $0x3000, s12  }
0xf: {  	s9 =	sadd.s32 s1, s9;
	s10 =	sadd.s32 s2, s12;
	s8 =	sshrl.u32 s8, $0x3  }
0x10: {  	s20 =	sshrl.u32 s25, $0x3;
	s25 =	simm.s32 $0x80;
	[dreg:$0x5] =	wrdreg s24  }
0x11: {  	s6 =	sadd.s32 s19, s13;
	s7 =	sadd.s32 s19, s14;
	[dreg:$0x6] =	wrdreg s9  }
0x12: {  	s9 =	sadd.s32 s19, s15;
	s11 =	sadd.s32 s2, s13;
	s12 =	sadd.s32 s2, s14  }
0x13: {  	s13 =	sadd.s32 s0, s8;
	s26 =	sor.u32 $0x1000, s20;
	s14 =	sadd.s32 s2, s15  }
0x14: {  	s15 =	sadd.s32 s19, s20;
	s22 =	sor.u32 $0x2000, s20;
	s17 =	sadd.s32 s1, s8  }
0x15: {  	s28 =	sor.u32 $0x3000, s20;
	s20 =	sadd.s32 s2, s20;
	s24 =	smax.u32 s4, $0x1  }
0x16: {  	s0 =	simm.s32 $0x3;
	s16 =	sadd.s32 s19, s26;
	s18 =	sadd.s32 s19, s22  }
0x17: {  	s19 =	sadd.s32 s19, s28;
	s21 =	sadd.s32 s2, s26;
	s22 =	sadd.s32 s2, s22  }
0x18: {  	s23 =	sadd.s32 s2, s28;
	s26 =	simm.s32 $0x400;
	s2 =	simm.s32 $0x0  }
.LBB2_1:
0x19: {  	s1 =	rddreg [dreg:$0x5]  }
0x1a: {  	[tilespmem:s3], [sflag:$0x1] =	stream.strided.gather [hbm4b:s1+s25], $0x18700, s26, s25, $0x38;
	[tilespmem:$0x1E700] =	vst v63  }
0x1b: {  	s8 =	rddreg [dreg:$0x0];
	s4 =	simm.s32 $0x18700  }
0x1c: {  	[tilespmem:s4], [sflag:$0x4] =	stream.linear.gather [hbm4b:s8+s3], $0x4000, $0x38;
	[tilespmem:$0x1E700] =	vst v63  }
0x1d: {  	_ =	swait.ge [sflag:s29], $0x4000  }
0x1e: {  	[sflag:s29] =	ssyncset.done $0x0  }
0x1f: {  	[sflag:s29] =	ssyncadd.s32 $0xFFFFC000  }
0x20: {  	_ =	swait.ge [sflag:s30], $0x18700  }
0x21: {  	[sflag:s30] =	ssyncset.done $0x0  }
0x22: {  	s8 =	simm.s32 $0x18740;
	[sflag:s30] =	ssyncadd.s32 $0xFFFE7900  }
0x23: {  	v0 =	vld [tilespmem:s8+$0x30]  }
0x24: {  	v1 =	vld [tilespmem:s8+$0xFFFFFFD0]  }
0x25: {  	v2 =	vld [tilespmem:s8+$0xFFFFFFE0]  }
0x26: {  	v3 =	vld [tilespmem:s8+$0xFFFFFFF0]  }
0x27: {  	v4 =	vld [tilespmem:s8+$0x0]  }
0x28: {  	v6 =	vld [tilespmem:s8+$0x10]  }
0x29: {  	v7 =	vld [tilespmem:s8+$0x20]  }
0x2a: {  	v8 =	vld [tilespmem:s8+$0xFFFFFFC0]  }
0x2b: {  	v9 =	vld.idx.msk [tilespmem:v0+s3+$0x0], $0xffff  }
0x2c: {  	v10 =	vld.idx.msk [tilespmem:v1+s3+$0x0], $0xffff  }
0x2d: {  	v5 =	vld.idx.msk [tilespmem:v2+s3+$0x0], $0xffff  }
0x2e: {  	v3 =	vld.idx.msk [tilespmem:v3+s3+$0x0], $0xffff  }
0x2f: {  	v0 =	vld.idx.msk [tilespmem:v4+s3+$0x0], $0xffff  }
0x30: {  	s1 =	simm.s32 $0x1C740;
	v1 =	vld.idx.msk [tilespmem:v6+s3+$0x0], $0xffff  }
0x31: {  	v2 =	vld.idx.msk [tilespmem:v7+s3+$0x0], $0xffff;
	[tilespmem:s1+$0x30] =	vst v9  }
0x32: {  	s28 =	simm.s32 $0x0;
	s4 =	simm.s32 $0x187C0;
	v4 =	vld.idx.msk [tilespmem:v8+s3+$0x0], $0xffff;
	[tilespmem:s1+$0xFFFFFFD0] =	vst v10  }
.LBB2_2:
0x33: {  	v6 =	vld [tilespmem:s4+$0x30];
	s28 =	sadd.s32 $0x80, s28;
	[tilespmem:s1+$0xFFFFFFE0] =	vst v5  }
0x34: {  	v5 =	vld [tilespmem:s4+$0xFFFFFFD0];
	p0 =	slt.u32 s28, $0xF80;
	[tilespmem:s1+$0xFFFFFFF0] =	vst v3  }
0x35: {  	v3 =	vld [tilespmem:s4+$0xFFFFFFE0];
	[tilespmem:s1+$0x0] =	vst v0  }
0x36: {  	v0 =	vld [tilespmem:s4+$0xFFFFFFF0];
	[tilespmem:s1+$0x10] =	vst v1  }
0x37: {  	v1 =	vld [tilespmem:s4+$0x0];
	[tilespmem:s1+$0x20] =	vst v2  }
0x38: {  	v2 =	vld [tilespmem:s4+$0x10];
	[tilespmem:s1+$0xFFFFFFC0] =	vst v4  }
0x39: {  	v4 =	vld [tilespmem:s4+$0x20]  }
0x3a: {  	v7 =	vld [tilespmem:s4+$0xFFFFFFC0]  }
0x3b: {  	v6 =	vld.idx.msk [tilespmem:v6+s3+$0x0], $0xffff  }
0x3c: {  	v8 =	vld.idx.msk [tilespmem:v5+s3+$0x0], $0xffff  }
0x3d: {  	v5 =	vld.idx.msk [tilespmem:v3+s3+$0x0], $0xffff  }
.Ltmp0:
0x3e: {  	v3 =	vld.idx.msk [tilespmem:v0+s3+$0x0], $0xffff;
	(pc) =	sbr.rel @p0 .LBB2_2-.Ltmp0, $4  }
0x3f: {  	v0 =	vld.idx.msk [tilespmem:v1+s3+$0x0], $0xffff  }
0x40: {  	s1 =	sadd.s32 $0x100, s1;
	v1 =	vld.idx.msk [tilespmem:v2+s3+$0x0], $0xffff  }
0x41: {  	v2 =	vld.idx.msk [tilespmem:v4+s3+$0x0], $0xffff;
	[tilespmem:s1+$0x30] =	vst v6  }
0x42: {  	s4 =	sadd.s32 $0x80, s4;
	v4 =	vld.idx.msk [tilespmem:v7+s3+$0x0], $0xffff;
	[tilespmem:s1+$0xFFFFFFD0] =	vst v8  }
0x43: {  	[tilespmem:s1+$0xFFFFFFE0] =	vst v5  }
0x44: {  	[tilespmem:s1+$0xFFFFFFF0] =	vst v3  }
0x45: {  	[tilespmem:s1+$0x0] =	vst v0  }
0x46: {  	[tilespmem:s1+$0x10] =	vst v1  }
0x47: {  	[tilespmem:s1+$0x20] =	vst v2  }
0x48: {  	s4 =	simm.s32 $0x1C700;
	[tilespmem:s1+$0xFFFFFFC0] =	vst v4;
	s1 =	simm.s32 $0x0  }
.LBB2_4:
0x49: {  	p0 =	sne.s32 s1, $0xF80  }
.Ltmp1:
0x4a: {  	_ = 	snop;
	(pc) =	sbr.rel @p0 .LBB2_4-.Ltmp1, $4  }
0x4b: {  	_ = 	snop  }
0x4c: {  	s8 =	sadd.s32 s1, s5  }
0x4d: {  	[hbm4b:s8+s3] =	stream.linear.scatter [tilespmem:s4], [sflag:$0x2], $0x80, $0x38;
	[tilespmem:$0x1E700] =	vst v63  }
0x4e: {  	s1 =	sadd.s32 $0x80, s1;
	s4 =	sadd.s32 $0x100, s4  }
0x4f: {  	s1 =	simm.s32 $0x19770  }
0x50: {  	v0 =	vld [tilespmem:s1+$0x0]  }
0x51: {  	v1 =	vld [tilespmem:s1+$0xFFFFFFA0]  }
0x52: {  	v2 =	vld [tilespmem:s1+$0xFFFFFFB0]  }
0x53: {  	v3 =	vld [tilespmem:s1+$0xFFFFFFC0]  }
0x54: {  	v4 =	vld [tilespmem:s1+$0xFFFFFFD0]  }
0x55: {  	v6 =	vld [tilespmem:s1+$0xFFFFFFE0]  }
0x56: {  	v7 =	vld [tilespmem:s1+$0xFFFFFFF0]  }
0x57: {  	v8 =	vld [tilespmem:s1+$0xFFFFFF90]  }
0x58: {  	v9 =	vld.idx.msk [tilespmem:v0+s3+$0x0], $0xffff  }
0x59: {  	v10 =	vld.idx.msk [tilespmem:v1+s3+$0x0], $0xffff  }
0x5a: {  	v5 =	vld.idx.msk [tilespmem:v2+s3+$0x0], $0xffff  }
0x5b: {  	v3 =	vld.idx.msk [tilespmem:v3+s3+$0x0], $0xffff  }
0x5c: {  	v0 =	vld.idx.msk [tilespmem:v4+s3+$0x0], $0xffff  }
0x5d: {  	s1 =	simm.s32 $0x1C7F0;
	v1 =	vld.idx.msk [tilespmem:v6+s3+$0x0], $0xffff  }
0x5e: {  	v2 =	vld.idx.msk [tilespmem:v7+s3+$0x0], $0xffff;
	[tilespmem:s1+$0x0] =	vst v9  }
0x5f: {  	s28 =	simm.s32 $0x0;
	s4 =	simm.s32 $0x197F0;
	v4 =	vld.idx.msk [tilespmem:v8+s3+$0x0], $0xffff;
	[tilespmem:s1+$0xFFFFFFA0] =	vst v10  }
.LBB2_6:
0x60: {  	v6 =	vld [tilespmem:s4+$0x0];
	s28 =	sadd.s32 $0x80, s28;
	[tilespmem:s1+$0xFFFFFFB0] =	vst v5  }
0x61: {  	v5 =	vld [tilespmem:s4+$0xFFFFFFA0];
	p0 =	slt.u32 s28, $0xF80;
	[tilespmem:s1+$0xFFFFFFC0] =	vst v3  }
0x62: {  	v3 =	vld [tilespmem:s4+$0xFFFFFFB0];
	[tilespmem:s1+$0xFFFFFFD0] =	vst v0  }
0x63: {  	v0 =	vld [tilespmem:s4+$0xFFFFFFC0];
	[tilespmem:s1+$0xFFFFFFE0] =	vst v1  }
0x64: {  	v1 =	vld [tilespmem:s4+$0xFFFFFFD0];
	[tilespmem:s1+$0xFFFFFFF0] =	vst v2  }
0x65: {  	v2 =	vld [tilespmem:s4+$0xFFFFFFE0];
	[tilespmem:s1+$0xFFFFFF90] =	vst v4  }
0x66: {  	v4 =	vld [tilespmem:s4+$0xFFFFFFF0]  }
0x67: {  	v7 =	vld [tilespmem:s4+$0xFFFFFF90]  }
0x68: {  	v6 =	vld.idx.msk [tilespmem:v6+s3+$0x0], $0xffff  }
0x69: {  	v8 =	vld.idx.msk [tilespmem:v5+s3+$0x0], $0xffff  }
0x6a: {  	v5 =	vld.idx.msk [tilespmem:v3+s3+$0x0], $0xffff  }
.Ltmp2:
0x6b: {  	v3 =	vld.idx.msk [tilespmem:v0+s3+$0x0], $0xffff;
	(pc) =	sbr.rel @p0 .LBB2_6-.Ltmp2, $4  }
0x6c: {  	v0 =	vld.idx.msk [tilespmem:v1+s3+$0x0], $0xffff  }
0x6d: {  	s1 =	sadd.s32 $0x100, s1;
	v1 =	vld.idx.msk [tilespmem:v2+s3+$0x0], $0xffff  }
0x6e: {  	v2 =	vld.idx.msk [tilespmem:v4+s3+$0x0], $0xffff;
	[tilespmem:s1+$0x0] =	vst v6  }
0x6f: {  	s4 =	sadd.s32 $0x80, s4;
	v4 =	vld.idx.msk [tilespmem:v7+s3+$0x0], $0xffff;
	[tilespmem:s1+$0xFFFFFFA0] =	vst v8  }
0x70: {  	[tilespmem:s1+$0xFFFFFFB0] =	vst v5  }
0x71: {  	[tilespmem:s1+$0xFFFFFFC0] =	vst v3  }
0x72: {  	[tilespmem:s1+$0xFFFFFFD0] =	vst v0  }
0x73: {  	[tilespmem:s1+$0xFFFFFFE0] =	vst v1  }
0x74: {  	s4 =	simm.s32 $0x1C780;
	[tilespmem:s1+$0xFFFFFFF0] =	vst v2  }
0x75: {  	s8 =	sadd.s32 $0x0, s6;
	s28 =	simm.s32 $0x1C880;
	[tilespmem:s1+$0xFFFFFF90] =	vst v4;
	s1 =	simm.s32 $0x80  }
.LBB2_8:
0x76: {  	[hbm4b:s8+s3] =	stream.linear.scatter [tilespmem:s4], [sflag:$0x3], $0x80, $0x38;
	[tilespmem:$0x1E700] =	vst v63  }
0x77: {  	s8 =	smov.u32 s1;
	s4 =	smov.u32 s28;
	p0 =	sne.s32 s1, $0xF80  }
.Ltmp3:
0x78: {  	s1 =	sadd.s32 $0x80, s1;
	(pc) =	sbr.rel @p0 .LBB2_8-.Ltmp3, $2  }
0x79: {  	_ =	sdelay $0x2  }
0x7a: {  	s28 =	sadd.s32 $0x100, s28;
	s8 =	sadd.s32 s8, s6  }
0x7b: {  	[hbm4b:s8+s3] =	stream.linear.scatter [tilespmem:s4], [sflag:$0x3], $0x80, $0x38;
	[tilespmem:$0x1E700] =	vst v63  }
0x7c: {  	_ =	swait.ge [sflag:s31], $0x1000  }
0x7d: {  	[sflag:s31] =	ssyncset.done $0x0  }
0x7e: {  	s1 =	simm.s32 $0x1A770;
	[sflag:s31] =	ssyncadd.s32 $0xFFFFF000  }
0x7f: {  	v0 =	vld [tilespmem:s1+$0x0]  }
0x80: {  	v1 =	vld [tilespmem:s1+$0xFFFFFFA0]  }
0x81: {  	v2 =	vld [tilespmem:s1+$0xFFFFFFB0]  }
0x82: {  	v3 =	vld [tilespmem:s1+$0xFFFFFFC0]  }
0x83: {  	v4 =	vld [tilespmem:s1+$0xFFFFFFD0]  }
0x84: {  	v6 =	vld [tilespmem:s1+$0xFFFFFFE0]  }
0x85: {  	v7 =	vld [tilespmem:s1+$0xFFFFFFF0]  }
0x86: {  	v8 =	vld [tilespmem:s1+$0xFFFFFF90]  }
0x87: {  	v9 =	vld.idx.msk [tilespmem:v0+s3+$0x0], $0xffff  }
0x88: {  	v10 =	vld.idx.msk [tilespmem:v1+s3+$0x0], $0xffff  }
0x89: {  	v5 =	vld.idx.msk [tilespmem:v2+s3+$0x0], $0xffff  }
0x8a: {  	v3 =	vld.idx.msk [tilespmem:v3+s3+$0x0], $0xffff  }
0x8b: {  	v0 =	vld.idx.msk [tilespmem:v4+s3+$0x0], $0xffff  }
0x8c: {  	s1 =	simm.s32 $0x1C740;
	v1 =	vld.idx.msk [tilespmem:v6+s3+$0x0], $0xffff  }
0x8d: {  	v2 =	vld.idx.msk [tilespmem:v7+s3+$0x0], $0xffff;
	[tilespmem:s1+$0x30] =	vst v9  }
0x8e: {  	s28 =	simm.s32 $0x0;
	s4 =	simm.s32 $0x1A7F0;
	v4 =	vld.idx.msk [tilespmem:v8+s3+$0x0], $0xffff;
	[tilespmem:s1+$0xFFFFFFD0] =	vst v10  }
.LBB2_10:
0x8f: {  	v6 =	vld [tilespmem:s4+$0x0];
	s28 =	sadd.s32 $0x80, s28;
	[tilespmem:s1+$0xFFFFFFE0] =	vst v5  }
0x90: {  	v5 =	vld [tilespmem:s4+$0xFFFFFFA0];
	p0 =	slt.u32 s28, $0xF80;
	[tilespmem:s1+$0xFFFFFFF0] =	vst v3  }
0x91: {  	v3 =	vld [tilespmem:s4+$0xFFFFFFB0];
	[tilespmem:s1+$0x0] =	vst v0  }
0x92: {  	v0 =	vld [tilespmem:s4+$0xFFFFFFC0];
	[tilespmem:s1+$0x10] =	vst v1  }
0x93: {  	v1 =	vld [tilespmem:s4+$0xFFFFFFD0];
	[tilespmem:s1+$0x20] =	vst v2  }
0x94: {  	v2 =	vld [tilespmem:s4+$0xFFFFFFE0];
	[tilespmem:s1+$0xFFFFFFC0] =	vst v4  }
0x95: {  	v4 =	vld [tilespmem:s4+$0xFFFFFFF0]  }
0x96: {  	v7 =	vld [tilespmem:s4+$0xFFFFFF90]  }
0x97: {  	v6 =	vld.idx.msk [tilespmem:v6+s3+$0x0], $0xffff  }
0x98: {  	v8 =	vld.idx.msk [tilespmem:v5+s3+$0x0], $0xffff  }
0x99: {  	v5 =	vld.idx.msk [tilespmem:v3+s3+$0x0], $0xffff  }
.Ltmp4:
0x9a: {  	v3 =	vld.idx.msk [tilespmem:v0+s3+$0x0], $0xffff;
	(pc) =	sbr.rel @p0 .LBB2_10-.Ltmp4, $4  }
0x9b: {  	v0 =	vld.idx.msk [tilespmem:v1+s3+$0x0], $0xffff  }
0x9c: {  	s1 =	sadd.s32 $0x100, s1;
	v1 =	vld.idx.msk [tilespmem:v2+s3+$0x0], $0xffff  }
0x9d: {  	v2 =	vld.idx.msk [tilespmem:v4+s3+$0x0], $0xffff;
	[tilespmem:s1+$0x30] =	vst v6  }
0x9e: {  	s4 =	sadd.s32 $0x80, s4;
	v4 =	vld.idx.msk [tilespmem:v7+s3+$0x0], $0xffff;
	[tilespmem:s1+$0xFFFFFFD0] =	vst v8  }
0x9f: {  	[tilespmem:s1+$0xFFFFFFE0] =	vst v5  }
0xa0: {  	[tilespmem:s1+$0xFFFFFFF0] =	vst v3  }
0xa1: {  	[tilespmem:s1+$0x0] =	vst v0  }
0xa2: {  	[tilespmem:s1+$0x10] =	vst v1  }
0xa3: {  	s4 =	simm.s32 $0x1C700;
	[tilespmem:s1+$0x20] =	vst v2  }
0xa4: {  	s8 =	sadd.s32 $0x0, s7;
	s28 =	simm.s32 $0x1C800;
	[tilespmem:s1+$0xFFFFFFC0] =	vst v4;
	s1 =	simm.s32 $0x80  }
.LBB2_12:
0xa5: {  	[hbm4b:s8+s3] =	stream.linear.scatter [tilespmem:s4], [sflag:$0x2], $0x80, $0x38;
	[tilespmem:$0x1E700] =	vst v63  }
0xa6: {  	s8 =	smov.u32 s1;
	s4 =	smov.u32 s28;
	p0 =	sne.s32 s1, $0xF80  }
.Ltmp5:
0xa7: {  	s1 =	sadd.s32 $0x80, s1;
	(pc) =	sbr.rel @p0 .LBB2_12-.Ltmp5, $2  }
0xa8: {  	_ =	sdelay $0x2  }
0xa9: {  	s28 =	sadd.s32 $0x100, s28;
	s8 =	sadd.s32 s8, s7  }
0xaa: {  	[hbm4b:s8+s3] =	stream.linear.scatter [tilespmem:s4], [sflag:$0x2], $0x80, $0x38;
	[tilespmem:$0x1E700] =	vst v63  }
0xab: {  	_ =	swait.ge [sflag:s0], $0x1000  }
0xac: {  	[sflag:s0] =	ssyncset.done $0x0  }
0xad: {  	s1 =	simm.s32 $0x1B770;
	[sflag:s0] =	ssyncadd.s32 $0xFFFFF000  }
0xae: {  	v0 =	vld [tilespmem:s1+$0x0]  }
0xaf: {  	v1 =	vld [tilespmem:s1+$0xFFFFFFA0]  }
0xb0: {  	v2 =	vld [tilespmem:s1+$0xFFFFFFB0]  }
0xb1: {  	v3 =	vld [tilespmem:s1+$0xFFFFFFC0]  }
0xb2: {  	v4 =	vld [tilespmem:s1+$0xFFFFFFD0]  }
0xb3: {  	v6 =	vld [tilespmem:s1+$0xFFFFFFE0]  }
0xb4: {  	v7 =	vld [tilespmem:s1+$0xFFFFFFF0]  }
0xb5: {  	v8 =	vld [tilespmem:s1+$0xFFFFFF90]  }
0xb6: {  	v9 =	vld.idx.msk [tilespmem:v0+s3+$0x0], $0xffff  }
0xb7: {  	v10 =	vld.idx.msk [tilespmem:v1+s3+$0x0], $0xffff  }
0xb8: {  	v5 =	vld.idx.msk [tilespmem:v2+s3+$0x0], $0xffff  }
0xb9: {  	v3 =	vld.idx.msk [tilespmem:v3+s3+$0x0], $0xffff  }
0xba: {  	v0 =	vld.idx.msk [tilespmem:v4+s3+$0x0], $0xffff  }
0xbb: {  	s1 =	simm.s32 $0x1C7F0;
	v1 =	vld.idx.msk [tilespmem:v6+s3+$0x0], $0xffff  }
0xbc: {  	v2 =	vld.idx.msk [tilespmem:v7+s3+$0x0], $0xffff;
	[tilespmem:s1+$0x0] =	vst v9  }
0xbd: {  	s28 =	simm.s32 $0x0;
	s4 =	simm.s32 $0x1B7F0;
	v4 =	vld.idx.msk [tilespmem:v8+s3+$0x0], $0xffff;
	[tilespmem:s1+$0xFFFFFFA0] =	vst v10  }
.LBB2_14:
0xbe: {  	v6 =	vld [tilespmem:s4+$0x0];
	s28 =	sadd.s32 $0x80, s28;
	[tilespmem:s1+$0xFFFFFFB0] =	vst v5  }
0xbf: {  	v5 =	vld [tilespmem:s4+$0xFFFFFFA0];
	p0 =	slt.u32 s28, $0xF80;
	[tilespmem:s1+$0xFFFFFFC0] =	vst v3  }
0xc0: {  	v3 =	vld [tilespmem:s4+$0xFFFFFFB0];
	[tilespmem:s1+$0xFFFFFFD0] =	vst v0  }
0xc1: {  	v0 =	vld [tilespmem:s4+$0xFFFFFFC0];
	[tilespmem:s1+$0xFFFFFFE0] =	vst v1  }
0xc2: {  	v1 =	vld [tilespmem:s4+$0xFFFFFFD0];
	[tilespmem:s1+$0xFFFFFFF0] =	vst v2  }
0xc3: {  	v2 =	vld [tilespmem:s4+$0xFFFFFFE0];
	[tilespmem:s1+$0xFFFFFF90] =	vst v4  }
0xc4: {  	v4 =	vld [tilespmem:s4+$0xFFFFFFF0]  }
0xc5: {  	v7 =	vld [tilespmem:s4+$0xFFFFFF90]  }
0xc6: {  	v6 =	vld.idx.msk [tilespmem:v6+s3+$0x0], $0xffff  }
0xc7: {  	v8 =	vld.idx.msk [tilespmem:v5+s3+$0x0], $0xffff  }
0xc8: {  	v5 =	vld.idx.msk [tilespmem:v3+s3+$0x0], $0xffff  }
.Ltmp6:
0xc9: {  	v3 =	vld.idx.msk [tilespmem:v0+s3+$0x0], $0xffff;
	(pc) =	sbr.rel @p0 .LBB2_14-.Ltmp6, $4  }
0xca: {  	v0 =	vld.idx.msk [tilespmem:v1+s3+$0x0], $0xffff  }
0xcb: {  	s1 =	sadd.s32 $0x100, s1;
	v1 =	vld.idx.msk [tilespmem:v2+s3+$0x0], $0xffff  }
0xcc: {  	v2 =	vld.idx.msk [tilespmem:v4+s3+$0x0], $0xffff;
	[tilespmem:s1+$0x0] =	vst v6  }
0xcd: {  	s4 =	sadd.s32 $0x80, s4;
	v4 =	vld.idx.msk [tilespmem:v7+s3+$0x0], $0xffff;
	[tilespmem:s1+$0xFFFFFFA0] =	vst v8  }
0xce: {  	[tilespmem:s1+$0xFFFFFFB0] =	vst v5  }
0xcf: {  	[tilespmem:s1+$0xFFFFFFC0] =	vst v3  }
0xd0: {  	[tilespmem:s1+$0xFFFFFFD0] =	vst v0  }
0xd1: {  	[tilespmem:s1+$0xFFFFFFE0] =	vst v1  }
0xd2: {  	[tilespmem:s1+$0xFFFFFFF0] =	vst v2  }
0xd3: {  	[tilespmem:s1+$0xFFFFFF90] =	vst v4  }
0xd4: {  	s8 =	simm.s32 $0x0;
	s28 =	simm.s32 $0x1C880;
	s4 =	rddreg [dreg:$0x6]  }
0xd5: {  	[tilespmem:s8], [sflag:$0x1] =	stream.strided.gather [hbm4b:s4+s25], $0x18700, s26, s25, $0x38;
	[tilespmem:$0x1E700] =	vst v63  }
0xd6: {  	s1 =	simm.s32 $0x1C780;
	s4 =	simm.s32 $0x80;
	s8 =	sadd.s32 $0x0, s9  }
.LBB2_16:
0xd7: {  	[hbm4b:s8+s3] =	stream.linear.scatter [tilespmem:s1], [sflag:$0x3], $0x80, $0x38;
	[tilespmem:$0x1E700] =	vst v63  }
0xd8: {  	s8 =	smov.u32 s4;
	s1 =	smov.u32 s28;
	p0 =	sne.s32 s4, $0xF80  }
.Ltmp7:
0xd9: {  	s4 =	sadd.s32 $0x80, s4;
	(pc) =	sbr.rel @p0 .LBB2_16-.Ltmp7, $2  }
0xda: {  	_ =	sdelay $0x2  }
0xdb: {  	s28 =	sadd.s32 $0x100, s28;
	s8 =	sadd.s32 s8, s9  }
0xdc: {  	[hbm4b:s8+s3] =	stream.linear.scatter [tilespmem:s1], [sflag:$0x3], $0x80, $0x38;
	[tilespmem:$0x1E700] =	vst v63  }
0xdd: {  	_ =	swait.ge [sflag:s30], $0x18700  }
0xde: {  	[sflag:s30] =	ssyncset.done $0x0  }
0xdf: {  	[sflag:s30] =	ssyncadd.s32 $0xFFFE7900  }
0xe0: {  	_ =	swait.ge [sflag:s31], $0x1000  }
0xe1: {  	[sflag:s31] =	ssyncset.done $0x0  }
0xe2: {  	s8 =	simm.s32 $0x18740;
	[sflag:s31] =	ssyncadd.s32 $0xFFFFF000  }
0xe3: {  	v0 =	vld [tilespmem:s8+$0x30]  }
0xe4: {  	v1 =	vld [tilespmem:s8+$0xFFFFFFD0]  }
0xe5: {  	v2 =	vld [tilespmem:s8+$0xFFFFFFE0]  }
0xe6: {  	v3 =	vld [tilespmem:s8+$0xFFFFFFF0]  }
0xe7: {  	v4 =	vld [tilespmem:s8+$0x0]  }
0xe8: {  	v6 =	vld [tilespmem:s8+$0x10]  }
0xe9: {  	v7 =	vld [tilespmem:s8+$0x20]  }
0xea: {  	v8 =	vld [tilespmem:s8+$0xFFFFFFC0]  }
0xeb: {  	v9 =	vld.idx.msk [tilespmem:v0+s3+$0x0], $0xffff  }
0xec: {  	v10 =	vld.idx.msk [tilespmem:v1+s3+$0x0], $0xffff  }
0xed: {  	v5 =	vld.idx.msk [tilespmem:v2+s3+$0x0], $0xffff  }
0xee: {  	v3 =	vld.idx.msk [tilespmem:v3+s3+$0x0], $0xffff  }
0xef: {  	v0 =	vld.idx.msk [tilespmem:v4+s3+$0x0], $0xffff  }
0xf0: {  	s1 =	simm.s32 $0x1C740;
	v1 =	vld.idx.msk [tilespmem:v6+s3+$0x0], $0xffff  }
0xf1: {  	v2 =	vld.idx.msk [tilespmem:v7+s3+$0x0], $0xffff;
	[tilespmem:s1+$0x30] =	vst v9  }
0xf2: {  	s28 =	simm.s32 $0x0;
	s4 =	simm.s32 $0x187C0;
	v4 =	vld.idx.msk [tilespmem:v8+s3+$0x0], $0xffff;
	[tilespmem:s1+$0xFFFFFFD0] =	vst v10  }
.LBB2_18:
0xf3: {  	v6 =	vld [tilespmem:s4+$0x30];
	s28 =	sadd.s32 $0x80, s28;
	[tilespmem:s1+$0xFFFFFFE0] =	vst v5  }
0xf4: {  	v5 =	vld [tilespmem:s4+$0xFFFFFFD0];
	p0 =	slt.u32 s28, $0xF80;
	[tilespmem:s1+$0xFFFFFFF0] =	vst v3  }
0xf5: {  	v3 =	vld [tilespmem:s4+$0xFFFFFFE0];
	[tilespmem:s1+$0x0] =	vst v0  }
0xf6: {  	v0 =	vld [tilespmem:s4+$0xFFFFFFF0];
	[tilespmem:s1+$0x10] =	vst v1  }
0xf7: {  	v1 =	vld [tilespmem:s4+$0x0];
	[tilespmem:s1+$0x20] =	vst v2  }
0xf8: {  	v2 =	vld [tilespmem:s4+$0x10];
	[tilespmem:s1+$0xFFFFFFC0] =	vst v4  }
0xf9: {  	v4 =	vld [tilespmem:s4+$0x20]  }
0xfa: {  	v7 =	vld [tilespmem:s4+$0xFFFFFFC0]  }
0xfb: {  	v6 =	vld.idx.msk [tilespmem:v6+s3+$0x0], $0xffff  }
0xfc: {  	v8 =	vld.idx.msk [tilespmem:v5+s3+$0x0], $0xffff  }
0xfd: {  	v5 =	vld.idx.msk [tilespmem:v3+s3+$0x0], $0xffff  }
.Ltmp8:
0xfe: {  	v3 =	vld.idx.msk [tilespmem:v0+s3+$0x0], $0xffff;
	(pc) =	sbr.rel @p0 .LBB2_18-.Ltmp8, $4  }
0xff: {  	v0 =	vld.idx.msk [tilespmem:v1+s3+$0x0], $0xffff  }
0x100: {  	s1 =	sadd.s32 $0x100, s1;
	v1 =	vld.idx.msk [tilespmem:v2+s3+$0x0], $0xffff  }
0x101: {  	v2 =	vld.idx.msk [tilespmem:v4+s3+$0x0], $0xffff;
	[tilespmem:s1+$0x30] =	vst v6  }
0x102: {  	s4 =	sadd.s32 $0x80, s4;
	v4 =	vld.idx.msk [tilespmem:v7+s3+$0x0], $0xffff;
	[tilespmem:s1+$0xFFFFFFD0] =	vst v8  }
0x103: {  	[tilespmem:s1+$0xFFFFFFE0] =	vst v5  }
0x104: {  	[tilespmem:s1+$0xFFFFFFF0] =	vst v3  }
0x105: {  	[tilespmem:s1+$0x0] =	vst v0  }
0x106: {  	[tilespmem:s1+$0x10] =	vst v1  }
0x107: {  	s4 =	simm.s32 $0x1C700;
	[tilespmem:s1+$0x20] =	vst v2  }
0x108: {  	s8 =	sadd.s32 $0x0, s10;
	s28 =	simm.s32 $0x1C800;
	[tilespmem:s1+$0xFFFFFFC0] =	vst v4;
	s1 =	simm.s32 $0x80  }
.LBB2_20:
0x109: {  	[hbm4b:s8+s3] =	stream.linear.scatter [tilespmem:s4], [sflag:$0x2], $0x80, $0x38;
	[tilespmem:$0x1E700] =	vst v63  }
0x10a: {  	s8 =	smov.u32 s1;
	s4 =	smov.u32 s28;
	p0 =	sne.s32 s1, $0xF80  }
.Ltmp9:
0x10b: {  	s1 =	sadd.s32 $0x80, s1;
	(pc) =	sbr.rel @p0 .LBB2_20-.Ltmp9, $2  }
0x10c: {  	_ =	sdelay $0x2  }
0x10d: {  	s28 =	sadd.s32 $0x100, s28;
	s8 =	sadd.s32 s8, s10  }
0x10e: {  	[hbm4b:s8+s3] =	stream.linear.scatter [tilespmem:s4], [sflag:$0x2], $0x80, $0x38;
	[tilespmem:$0x1E700] =	vst v63  }
0x10f: {  	_ =	swait.ge [sflag:s0], $0x1000  }
0x110: {  	[sflag:s0] =	ssyncset.done $0x0  }
0x111: {  	s1 =	simm.s32 $0x19770;
	[sflag:s0] =	ssyncadd.s32 $0xFFFFF000  }
0x112: {  	v0 =	vld [tilespmem:s1+$0x0]  }
0x113: {  	v1 =	vld [tilespmem:s1+$0xFFFFFFA0]  }
0x114: {  	v2 =	vld [tilespmem:s1+$0xFFFFFFB0]  }
0x115: {  	v3 =	vld [tilespmem:s1+$0xFFFFFFC0]  }
0x116: {  	v4 =	vld [tilespmem:s1+$0xFFFFFFD0]  }
0x117: {  	v6 =	vld [tilespmem:s1+$0xFFFFFFE0]  }
0x118: {  	v7 =	vld [tilespmem:s1+$0xFFFFFFF0]  }
0x119: {  	v8 =	vld [tilespmem:s1+$0xFFFFFF90]  }
0x11a: {  	v9 =	vld.idx.msk [tilespmem:v0+s3+$0x0], $0xffff  }
0x11b: {  	v10 =	vld.idx.msk [tilespmem:v1+s3+$0x0], $0xffff  }
0x11c: {  	v5 =	vld.idx.msk [tilespmem:v2+s3+$0x0], $0xffff  }
0x11d: {  	v3 =	vld.idx.msk [tilespmem:v3+s3+$0x0], $0xffff  }
0x11e: {  	v0 =	vld.idx.msk [tilespmem:v4+s3+$0x0], $0xffff  }
0x11f: {  	s1 =	simm.s32 $0x1C7F0;
	v1 =	vld.idx.msk [tilespmem:v6+s3+$0x0], $0xffff  }
0x120: {  	v2 =	vld.idx.msk [tilespmem:v7+s3+$0x0], $0xffff;
	[tilespmem:s1+$0x0] =	vst v9  }
0x121: {  	s28 =	simm.s32 $0x0;
	s4 =	simm.s32 $0x197F0;
	v4 =	vld.idx.msk [tilespmem:v8+s3+$0x0], $0xffff;
	[tilespmem:s1+$0xFFFFFFA0] =	vst v10  }
.LBB2_22:
0x122: {  	v6 =	vld [tilespmem:s4+$0x0];
	s28 =	sadd.s32 $0x80, s28;
	[tilespmem:s1+$0xFFFFFFB0] =	vst v5  }
0x123: {  	v5 =	vld [tilespmem:s4+$0xFFFFFFA0];
	p0 =	slt.u32 s28, $0xF80;
	[tilespmem:s1+$0xFFFFFFC0] =	vst v3  }
0x124: {  	v3 =	vld [tilespmem:s4+$0xFFFFFFB0];
	[tilespmem:s1+$0xFFFFFFD0] =	vst v0  }
0x125: {  	v0 =	vld [tilespmem:s4+$0xFFFFFFC0];
	[tilespmem:s1+$0xFFFFFFE0] =	vst v1  }
0x126: {  	v1 =	vld [tilespmem:s4+$0xFFFFFFD0];
	[tilespmem:s1+$0xFFFFFFF0] =	vst v2  }
0x127: {  	v2 =	vld [tilespmem:s4+$0xFFFFFFE0];
	[tilespmem:s1+$0xFFFFFF90] =	vst v4  }
0x128: {  	v4 =	vld [tilespmem:s4+$0xFFFFFFF0]  }
0x129: {  	v7 =	vld [tilespmem:s4+$0xFFFFFF90]  }
0x12a: {  	v6 =	vld.idx.msk [tilespmem:v6+s3+$0x0], $0xffff  }
0x12b: {  	v8 =	vld.idx.msk [tilespmem:v5+s3+$0x0], $0xffff  }
0x12c: {  	v5 =	vld.idx.msk [tilespmem:v3+s3+$0x0], $0xffff  }
.Ltmp10:
0x12d: {  	v3 =	vld.idx.msk [tilespmem:v0+s3+$0x0], $0xffff;
	(pc) =	sbr.rel @p0 .LBB2_22-.Ltmp10, $4  }
0x12e: {  	v0 =	vld.idx.msk [tilespmem:v1+s3+$0x0], $0xffff  }
0x12f: {  	s1 =	sadd.s32 $0x100, s1;
	v1 =	vld.idx.msk [tilespmem:v2+s3+$0x0], $0xffff  }
0x130: {  	v2 =	vld.idx.msk [tilespmem:v4+s3+$0x0], $0xffff;
	[tilespmem:s1+$0x0] =	vst v6  }
0x131: {  	s4 =	sadd.s32 $0x80, s4;
	v4 =	vld.idx.msk [tilespmem:v7+s3+$0x0], $0xffff;
	[tilespmem:s1+$0xFFFFFFA0] =	vst v8  }
0x132: {  	[tilespmem:s1+$0xFFFFFFB0] =	vst v5  }
0x133: {  	[tilespmem:s1+$0xFFFFFFC0] =	vst v3  }
0x134: {  	[tilespmem:s1+$0xFFFFFFD0] =	vst v0  }
0x135: {  	[tilespmem:s1+$0xFFFFFFE0] =	vst v1  }
0x136: {  	s4 =	simm.s32 $0x1C780;
	[tilespmem:s1+$0xFFFFFFF0] =	vst v2  }
0x137: {  	s8 =	sadd.s32 $0x0, s11;
	s28 =	simm.s32 $0x1C880;
	[tilespmem:s1+$0xFFFFFF90] =	vst v4;
	s1 =	simm.s32 $0x80  }
.LBB2_24:
0x138: {  	[hbm4b:s8+s3] =	stream.linear.scatter [tilespmem:s4], [sflag:$0x3], $0x80, $0x38;
	[tilespmem:$0x1E700] =	vst v63  }
0x139: {  	s8 =	smov.u32 s1;
	s4 =	smov.u32 s28;
	p0 =	sne.s32 s1, $0xF80  }
.Ltmp11:
0x13a: {  	s1 =	sadd.s32 $0x80, s1;
	(pc) =	sbr.rel @p0 .LBB2_24-.Ltmp11, $2  }
0x13b: {  	_ =	sdelay $0x2  }
0x13c: {  	s28 =	sadd.s32 $0x100, s28;
	s8 =	sadd.s32 s8, s11  }
0x13d: {  	[hbm4b:s8+s3] =	stream.linear.scatter [tilespmem:s4], [sflag:$0x3], $0x80, $0x38;
	[tilespmem:$0x1E700] =	vst v63  }
0x13e: {  	_ =	swait.ge [sflag:s31], $0x1000  }
0x13f: {  	[sflag:s31] =	ssyncset.done $0x0  }
0x140: {  	s1 =	simm.s32 $0x1A770;
	[sflag:s31] =	ssyncadd.s32 $0xFFFFF000  }
0x141: {  	v0 =	vld [tilespmem:s1+$0x0]  }
0x142: {  	v1 =	vld [tilespmem:s1+$0xFFFFFFA0]  }
0x143: {  	v2 =	vld [tilespmem:s1+$0xFFFFFFB0]  }
0x144: {  	v3 =	vld [tilespmem:s1+$0xFFFFFFC0]  }
0x145: {  	v4 =	vld [tilespmem:s1+$0xFFFFFFD0]  }
0x146: {  	v6 =	vld [tilespmem:s1+$0xFFFFFFE0]  }
0x147: {  	v7 =	vld [tilespmem:s1+$0xFFFFFFF0]  }
0x148: {  	v8 =	vld [tilespmem:s1+$0xFFFFFF90]  }
0x149: {  	v9 =	vld.idx.msk [tilespmem:v0+s3+$0x0], $0xffff  }
0x14a: {  	v10 =	vld.idx.msk [tilespmem:v1+s3+$0x0], $0xffff  }
0x14b: {  	v5 =	vld.idx.msk [tilespmem:v2+s3+$0x0], $0xffff  }
0x14c: {  	v3 =	vld.idx.msk [tilespmem:v3+s3+$0x0], $0xffff  }
0x14d: {  	v0 =	vld.idx.msk [tilespmem:v4+s3+$0x0], $0xffff  }
0x14e: {  	s1 =	simm.s32 $0x1C740;
	v1 =	vld.idx.msk [tilespmem:v6+s3+$0x0], $0xffff  }
0x14f: {  	v2 =	vld.idx.msk [tilespmem:v7+s3+$0x0], $0xffff;
	[tilespmem:s1+$0x30] =	vst v9  }
0x150: {  	s28 =	simm.s32 $0x0;
	s4 =	simm.s32 $0x1A7F0;
	v4 =	vld.idx.msk [tilespmem:v8+s3+$0x0], $0xffff;
	[tilespmem:s1+$0xFFFFFFD0] =	vst v10  }
.LBB2_26:
0x151: {  	v6 =	vld [tilespmem:s4+$0x0];
	s28 =	sadd.s32 $0x80, s28;
	[tilespmem:s1+$0xFFFFFFE0] =	vst v5  }
0x152: {  	v5 =	vld [tilespmem:s4+$0xFFFFFFA0];
	p0 =	slt.u32 s28, $0xF80;
	[tilespmem:s1+$0xFFFFFFF0] =	vst v3  }
0x153: {  	v3 =	vld [tilespmem:s4+$0xFFFFFFB0];
	[tilespmem:s1+$0x0] =	vst v0  }
0x154: {  	v0 =	vld [tilespmem:s4+$0xFFFFFFC0];
	[tilespmem:s1+$0x10] =	vst v1  }
0x155: {  	v1 =	vld [tilespmem:s4+$0xFFFFFFD0];
	[tilespmem:s1+$0x20] =	vst v2  }
0x156: {  	v2 =	vld [tilespmem:s4+$0xFFFFFFE0];
	[tilespmem:s1+$0xFFFFFFC0] =	vst v4  }
0x157: {  	v4 =	vld [tilespmem:s4+$0xFFFFFFF0]  }
0x158: {  	v7 =	vld [tilespmem:s4+$0xFFFFFF90]  }
0x159: {  	v6 =	vld.idx.msk [tilespmem:v6+s3+$0x0], $0xffff  }
0x15a: {  	v8 =	vld.idx.msk [tilespmem:v5+s3+$0x0], $0xffff  }
0x15b: {  	v5 =	vld.idx.msk [tilespmem:v3+s3+$0x0], $0xffff  }
.Ltmp12:
0x15c: {  	v3 =	vld.idx.msk [tilespmem:v0+s3+$0x0], $0xffff;
	(pc) =	sbr.rel @p0 .LBB2_26-.Ltmp12, $4  }
0x15d: {  	v0 =	vld.idx.msk [tilespmem:v1+s3+$0x0], $0xffff  }
0x15e: {  	s1 =	sadd.s32 $0x100, s1;
	v1 =	vld.idx.msk [tilespmem:v2+s3+$0x0], $0xffff  }
0x15f: {  	v2 =	vld.idx.msk [tilespmem:v4+s3+$0x0], $0xffff;
	[tilespmem:s1+$0x30] =	vst v6  }
0x160: {  	s4 =	sadd.s32 $0x80, s4;
	v4 =	vld.idx.msk [tilespmem:v7+s3+$0x0], $0xffff;
	[tilespmem:s1+$0xFFFFFFD0] =	vst v8  }
0x161: {  	[tilespmem:s1+$0xFFFFFFE0] =	vst v5  }
0x162: {  	[tilespmem:s1+$0xFFFFFFF0] =	vst v3  }
0x163: {  	[tilespmem:s1+$0x0] =	vst v0  }
0x164: {  	[tilespmem:s1+$0x10] =	vst v1  }
0x165: {  	s4 =	simm.s32 $0x1C700;
	[tilespmem:s1+$0x20] =	vst v2  }
0x166: {  	s8 =	sadd.s32 $0x0, s12;
	s28 =	simm.s32 $0x1C800;
	[tilespmem:s1+$0xFFFFFFC0] =	vst v4;
	s1 =	simm.s32 $0x80  }
.LBB2_28:
0x167: {  	[hbm4b:s8+s3] =	stream.linear.scatter [tilespmem:s4], [sflag:$0x2], $0x80, $0x38;
	[tilespmem:$0x1E700] =	vst v63  }
0x168: {  	s8 =	smov.u32 s1;
	s4 =	smov.u32 s28;
	p0 =	sne.s32 s1, $0xF80  }
.Ltmp13:
0x169: {  	s1 =	sadd.s32 $0x80, s1;
	(pc) =	sbr.rel @p0 .LBB2_28-.Ltmp13, $2  }
0x16a: {  	_ =	sdelay $0x2  }
0x16b: {  	s28 =	sadd.s32 $0x100, s28;
	s8 =	sadd.s32 s8, s12  }
0x16c: {  	[hbm4b:s8+s3] =	stream.linear.scatter [tilespmem:s4], [sflag:$0x2], $0x80, $0x38;
	[tilespmem:$0x1E700] =	vst v63  }
0x16d: {  	_ =	swait.ge [sflag:s0], $0x1000  }
0x16e: {  	[sflag:s0] =	ssyncset.done $0x0  }
0x16f: {  	s1 =	simm.s32 $0x1B770;
	[sflag:s0] =	ssyncadd.s32 $0xFFFFF000  }
0x170: {  	v0 =	vld [tilespmem:s1+$0x0]  }
0x171: {  	v1 =	vld [tilespmem:s1+$0xFFFFFFA0]  }
0x172: {  	v2 =	vld [tilespmem:s1+$0xFFFFFFB0]  }
0x173: {  	v3 =	vld [tilespmem:s1+$0xFFFFFFC0]  }
0x174: {  	v4 =	vld [tilespmem:s1+$0xFFFFFFD0]  }
0x175: {  	v6 =	vld [tilespmem:s1+$0xFFFFFFE0]  }
0x176: {  	v7 =	vld [tilespmem:s1+$0xFFFFFFF0]  }
0x177: {  	v8 =	vld [tilespmem:s1+$0xFFFFFF90]  }
0x178: {  	v9 =	vld.idx.msk [tilespmem:v0+s3+$0x0], $0xffff  }
0x179: {  	v10 =	vld.idx.msk [tilespmem:v1+s3+$0x0], $0xffff  }
0x17a: {  	v5 =	vld.idx.msk [tilespmem:v2+s3+$0x0], $0xffff  }
0x17b: {  	v3 =	vld.idx.msk [tilespmem:v3+s3+$0x0], $0xffff  }
0x17c: {  	v0 =	vld.idx.msk [tilespmem:v4+s3+$0x0], $0xffff  }
0x17d: {  	s1 =	simm.s32 $0x1C7F0;
	v1 =	vld.idx.msk [tilespmem:v6+s3+$0x0], $0xffff  }
0x17e: {  	v2 =	vld.idx.msk [tilespmem:v7+s3+$0x0], $0xffff;
	[tilespmem:s1+$0x0] =	vst v9  }
0x17f: {  	s28 =	simm.s32 $0x0;
	s4 =	simm.s32 $0x1B7F0;
	v4 =	vld.idx.msk [tilespmem:v8+s3+$0x0], $0xffff;
	[tilespmem:s1+$0xFFFFFFA0] =	vst v10  }
.LBB2_30:
0x180: {  	v6 =	vld [tilespmem:s4+$0x0];
	s28 =	sadd.s32 $0x80, s28;
	[tilespmem:s1+$0xFFFFFFB0] =	vst v5  }
0x181: {  	v5 =	vld [tilespmem:s4+$0xFFFFFFA0];
	p0 =	slt.u32 s28, $0xF80;
	[tilespmem:s1+$0xFFFFFFC0] =	vst v3  }
0x182: {  	v3 =	vld [tilespmem:s4+$0xFFFFFFB0];
	[tilespmem:s1+$0xFFFFFFD0] =	vst v0  }
0x183: {  	v0 =	vld [tilespmem:s4+$0xFFFFFFC0];
	[tilespmem:s1+$0xFFFFFFE0] =	vst v1  }
0x184: {  	v1 =	vld [tilespmem:s4+$0xFFFFFFD0];
	[tilespmem:s1+$0xFFFFFFF0] =	vst v2  }
0x185: {  	v2 =	vld [tilespmem:s4+$0xFFFFFFE0];
	[tilespmem:s1+$0xFFFFFF90] =	vst v4  }
0x186: {  	v4 =	vld [tilespmem:s4+$0xFFFFFFF0]  }
0x187: {  	v7 =	vld [tilespmem:s4+$0xFFFFFF90]  }
0x188: {  	v6 =	vld.idx.msk [tilespmem:v6+s3+$0x0], $0xffff  }
0x189: {  	v8 =	vld.idx.msk [tilespmem:v5+s3+$0x0], $0xffff  }
0x18a: {  	v5 =	vld.idx.msk [tilespmem:v3+s3+$0x0], $0xffff  }
.Ltmp14:
0x18b: {  	v3 =	vld.idx.msk [tilespmem:v0+s3+$0x0], $0xffff;
	(pc) =	sbr.rel @p0 .LBB2_30-.Ltmp14, $4  }
0x18c: {  	v0 =	vld.idx.msk [tilespmem:v1+s3+$0x0], $0xffff  }
0x18d: {  	s1 =	sadd.s32 $0x100, s1;
	v1 =	vld.idx.msk [tilespmem:v2+s3+$0x0], $0xffff  }
0x18e: {  	v2 =	vld.idx.msk [tilespmem:v4+s3+$0x0], $0xffff;
	[tilespmem:s1+$0x0] =	vst v6  }
0x18f: {  	s4 =	sadd.s32 $0x80, s4;
	v4 =	vld.idx.msk [tilespmem:v7+s3+$0x0], $0xffff;
	[tilespmem:s1+$0xFFFFFFA0] =	vst v8  }
0x190: {  	[tilespmem:s1+$0xFFFFFFB0] =	vst v5  }
0x191: {  	[tilespmem:s1+$0xFFFFFFC0] =	vst v3  }
0x192: {  	[tilespmem:s1+$0xFFFFFFD0] =	vst v0  }
0x193: {  	[tilespmem:s1+$0xFFFFFFE0] =	vst v1  }
0x194: {  	[tilespmem:s1+$0xFFFFFFF0] =	vst v2  }
0x195: {  	s8 =	simm.s32 $0x0;
	s4 =	simm.s32 $0x80;
	[tilespmem:s1+$0xFFFFFF90] =	vst v4  }
0x196: {  	[tilespmem:s8], [sflag:$0x1] =	stream.strided.gather [hbm4b:s13+s25], $0x18700, s26, s25, $0x38;
	[tilespmem:$0x1E700] =	vst v63  }
0x197: {  	s28 =	simm.s32 $0x1C880;
	s1 =	simm.s32 $0x1C780;
	s8 =	sadd.s32 $0x0, s14  }
.LBB2_32:
0x198: {  	[hbm4b:s8+s3] =	stream.linear.scatter [tilespmem:s1], [sflag:$0x3], $0x80, $0x38;
	[tilespmem:$0x1E700] =	vst v63  }
0x199: {  	s8 =	smov.u32 s4;
	s1 =	smov.u32 s28;
	p0 =	sne.s32 s4, $0xF80  }
.Ltmp15:
0x19a: {  	s4 =	sadd.s32 $0x80, s4;
	(pc) =	sbr.rel @p0 .LBB2_32-.Ltmp15, $2  }
0x19b: {  	_ =	sdelay $0x2  }
0x19c: {  	s28 =	sadd.s32 $0x100, s28;
	s8 =	sadd.s32 s8, s14  }
0x19d: {  	[hbm4b:s8+s3] =	stream.linear.scatter [tilespmem:s1], [sflag:$0x3], $0x80, $0x38;
	[tilespmem:$0x1E700] =	vst v63  }
0x19e: {  	_ =	swait.ge [sflag:s30], $0x18700  }
0x19f: {  	[sflag:s30] =	ssyncset.done $0x0  }
0x1a0: {  	[sflag:s30] =	ssyncadd.s32 $0xFFFE7900  }
0x1a1: {  	_ =	swait.ge [sflag:s31], $0x1000  }
0x1a2: {  	[sflag:s31] =	ssyncset.done $0x0  }
0x1a3: {  	s8 =	simm.s32 $0x18740;
	[sflag:s31] =	ssyncadd.s32 $0xFFFFF000  }
0x1a4: {  	v0 =	vld [tilespmem:s8+$0x30]  }
0x1a5: {  	v1 =	vld [tilespmem:s8+$0xFFFFFFD0]  }
0x1a6: {  	v2 =	vld [tilespmem:s8+$0xFFFFFFE0]  }
0x1a7: {  	v3 =	vld [tilespmem:s8+$0xFFFFFFF0]  }
0x1a8: {  	v4 =	vld [tilespmem:s8+$0x0]  }
0x1a9: {  	v6 =	vld [tilespmem:s8+$0x10]  }
0x1aa: {  	v7 =	vld [tilespmem:s8+$0x20]  }
0x1ab: {  	v8 =	vld [tilespmem:s8+$0xFFFFFFC0]  }
0x1ac: {  	v9 =	vld.idx.msk [tilespmem:v0+s3+$0x0], $0xffff  }
0x1ad: {  	v10 =	vld.idx.msk [tilespmem:v1+s3+$0x0], $0xffff  }
0x1ae: {  	v5 =	vld.idx.msk [tilespmem:v2+s3+$0x0], $0xffff  }
0x1af: {  	v3 =	vld.idx.msk [tilespmem:v3+s3+$0x0], $0xffff  }
0x1b0: {  	v0 =	vld.idx.msk [tilespmem:v4+s3+$0x0], $0xffff  }
0x1b1: {  	s1 =	simm.s32 $0x1C740;
	v1 =	vld.idx.msk [tilespmem:v6+s3+$0x0], $0xffff  }
0x1b2: {  	v2 =	vld.idx.msk [tilespmem:v7+s3+$0x0], $0xffff;
	[tilespmem:s1+$0x30] =	vst v9  }
0x1b3: {  	s28 =	simm.s32 $0x0;
	s4 =	simm.s32 $0x187C0;
	v4 =	vld.idx.msk [tilespmem:v8+s3+$0x0], $0xffff;
	[tilespmem:s1+$0xFFFFFFD0] =	vst v10  }
.LBB2_34:
0x1b4: {  	v6 =	vld [tilespmem:s4+$0x30];
	s28 =	sadd.s32 $0x80, s28;
	[tilespmem:s1+$0xFFFFFFE0] =	vst v5  }
0x1b5: {  	v5 =	vld [tilespmem:s4+$0xFFFFFFD0];
	p0 =	slt.u32 s28, $0xF80;
	[tilespmem:s1+$0xFFFFFFF0] =	vst v3  }
0x1b6: {  	v3 =	vld [tilespmem:s4+$0xFFFFFFE0];
	[tilespmem:s1+$0x0] =	vst v0  }
0x1b7: {  	v0 =	vld [tilespmem:s4+$0xFFFFFFF0];
	[tilespmem:s1+$0x10] =	vst v1  }
0x1b8: {  	v1 =	vld [tilespmem:s4+$0x0];
	[tilespmem:s1+$0x20] =	vst v2  }
0x1b9: {  	v2 =	vld [tilespmem:s4+$0x10];
	[tilespmem:s1+$0xFFFFFFC0] =	vst v4  }
0x1ba: {  	v4 =	vld [tilespmem:s4+$0x20]  }
0x1bb: {  	v7 =	vld [tilespmem:s4+$0xFFFFFFC0]  }
0x1bc: {  	v6 =	vld.idx.msk [tilespmem:v6+s3+$0x0], $0xffff  }
0x1bd: {  	v8 =	vld.idx.msk [tilespmem:v5+s3+$0x0], $0xffff  }
0x1be: {  	v5 =	vld.idx.msk [tilespmem:v3+s3+$0x0], $0xffff  }
.Ltmp16:
0x1bf: {  	v3 =	vld.idx.msk [tilespmem:v0+s3+$0x0], $0xffff;
	(pc) =	sbr.rel @p0 .LBB2_34-.Ltmp16, $4  }
0x1c0: {  	v0 =	vld.idx.msk [tilespmem:v1+s3+$0x0], $0xffff  }
0x1c1: {  	s1 =	sadd.s32 $0x100, s1;
	v1 =	vld.idx.msk [tilespmem:v2+s3+$0x0], $0xffff  }
0x1c2: {  	v2 =	vld.idx.msk [tilespmem:v4+s3+$0x0], $0xffff;
	[tilespmem:s1+$0x30] =	vst v6  }
0x1c3: {  	s4 =	sadd.s32 $0x80, s4;
	v4 =	vld.idx.msk [tilespmem:v7+s3+$0x0], $0xffff;
	[tilespmem:s1+$0xFFFFFFD0] =	vst v8  }
0x1c4: {  	[tilespmem:s1+$0xFFFFFFE0] =	vst v5  }
0x1c5: {  	[tilespmem:s1+$0xFFFFFFF0] =	vst v3  }
0x1c6: {  	[tilespmem:s1+$0x0] =	vst v0  }
0x1c7: {  	[tilespmem:s1+$0x10] =	vst v1  }
0x1c8: {  	s4 =	simm.s32 $0x1C700;
	[tilespmem:s1+$0x20] =	vst v2  }
0x1c9: {  	s8 =	sadd.s32 $0x0, s15;
	s28 =	simm.s32 $0x1C800;
	[tilespmem:s1+$0xFFFFFFC0] =	vst v4;
	s1 =	simm.s32 $0x80  }
.LBB2_36:
0x1ca: {  	[hbm4b:s8+s3] =	stream.linear.scatter [tilespmem:s4], [sflag:$0x2], $0x80, $0x38;
	[tilespmem:$0x1E700] =	vst v63  }
0x1cb: {  	s8 =	smov.u32 s1;
	s4 =	smov.u32 s28;
	p0 =	sne.s32 s1, $0xF80  }
.Ltmp17:
0x1cc: {  	s1 =	sadd.s32 $0x80, s1;
	(pc) =	sbr.rel @p0 .LBB2_36-.Ltmp17, $2  }
0x1cd: {  	_ =	sdelay $0x2  }
0x1ce: {  	s28 =	sadd.s32 $0x100, s28;
	s8 =	sadd.s32 s8, s15  }
0x1cf: {  	[hbm4b:s8+s3] =	stream.linear.scatter [tilespmem:s4], [sflag:$0x2], $0x80, $0x38;
	[tilespmem:$0x1E700] =	vst v63  }
0x1d0: {  	_ =	swait.ge [sflag:s0], $0x1000  }
0x1d1: {  	[sflag:s0] =	ssyncset.done $0x0  }
0x1d2: {  	s1 =	simm.s32 $0x19770;
	[sflag:s0] =	ssyncadd.s32 $0xFFFFF000  }
0x1d3: {  	v0 =	vld [tilespmem:s1+$0x0]  }
0x1d4: {  	v1 =	vld [tilespmem:s1+$0xFFFFFFA0]  }
0x1d5: {  	v2 =	vld [tilespmem:s1+$0xFFFFFFB0]  }
0x1d6: {  	v3 =	vld [tilespmem:s1+$0xFFFFFFC0]  }
0x1d7: {  	v4 =	vld [tilespmem:s1+$0xFFFFFFD0]  }
0x1d8: {  	v6 =	vld [tilespmem:s1+$0xFFFFFFE0]  }
0x1d9: {  	v7 =	vld [tilespmem:s1+$0xFFFFFFF0]  }
0x1da: {  	v8 =	vld [tilespmem:s1+$0xFFFFFF90]  }
0x1db: {  	v9 =	vld.idx.msk [tilespmem:v0+s3+$0x0], $0xffff  }
0x1dc: {  	v10 =	vld.idx.msk [tilespmem:v1+s3+$0x0], $0xffff  }
0x1dd: {  	v5 =	vld.idx.msk [tilespmem:v2+s3+$0x0], $0xffff  }
0x1de: {  	v3 =	vld.idx.msk [tilespmem:v3+s3+$0x0], $0xffff  }
0x1df: {  	v0 =	vld.idx.msk [tilespmem:v4+s3+$0x0], $0xffff  }
0x1e0: {  	s1 =	simm.s32 $0x1C7F0;
	v1 =	vld.idx.msk [tilespmem:v6+s3+$0x0], $0xffff  }
0x1e1: {  	v2 =	vld.idx.msk [tilespmem:v7+s3+$0x0], $0xffff;
	[tilespmem:s1+$0x0] =	vst v9  }
0x1e2: {  	s28 =	simm.s32 $0x0;
	s4 =	simm.s32 $0x197F0;
	v4 =	vld.idx.msk [tilespmem:v8+s3+$0x0], $0xffff;
	[tilespmem:s1+$0xFFFFFFA0] =	vst v10  }
.LBB2_38:
0x1e3: {  	v6 =	vld [tilespmem:s4+$0x0];
	s28 =	sadd.s32 $0x80, s28;
	[tilespmem:s1+$0xFFFFFFB0] =	vst v5  }
0x1e4: {  	v5 =	vld [tilespmem:s4+$0xFFFFFFA0];
	p0 =	slt.u32 s28, $0xF80;
	[tilespmem:s1+$0xFFFFFFC0] =	vst v3  }
0x1e5: {  	v3 =	vld [tilespmem:s4+$0xFFFFFFB0];
	[tilespmem:s1+$0xFFFFFFD0] =	vst v0  }
0x1e6: {  	v0 =	vld [tilespmem:s4+$0xFFFFFFC0];
	[tilespmem:s1+$0xFFFFFFE0] =	vst v1  }
0x1e7: {  	v1 =	vld [tilespmem:s4+$0xFFFFFFD0];
	[tilespmem:s1+$0xFFFFFFF0] =	vst v2  }
0x1e8: {  	v2 =	vld [tilespmem:s4+$0xFFFFFFE0];
	[tilespmem:s1+$0xFFFFFF90] =	vst v4  }
0x1e9: {  	v4 =	vld [tilespmem:s4+$0xFFFFFFF0]  }
0x1ea: {  	v7 =	vld [tilespmem:s4+$0xFFFFFF90]  }
0x1eb: {  	v6 =	vld.idx.msk [tilespmem:v6+s3+$0x0], $0xffff  }
0x1ec: {  	v8 =	vld.idx.msk [tilespmem:v5+s3+$0x0], $0xffff  }
0x1ed: {  	v5 =	vld.idx.msk [tilespmem:v3+s3+$0x0], $0xffff  }
.Ltmp18:
0x1ee: {  	v3 =	vld.idx.msk [tilespmem:v0+s3+$0x0], $0xffff;
	(pc) =	sbr.rel @p0 .LBB2_38-.Ltmp18, $4  }
0x1ef: {  	v0 =	vld.idx.msk [tilespmem:v1+s3+$0x0], $0xffff  }
0x1f0: {  	s1 =	sadd.s32 $0x100, s1;
	v1 =	vld.idx.msk [tilespmem:v2+s3+$0x0], $0xffff  }
0x1f1: {  	v2 =	vld.idx.msk [tilespmem:v4+s3+$0x0], $0xffff;
	[tilespmem:s1+$0x0] =	vst v6  }
0x1f2: {  	s4 =	sadd.s32 $0x80, s4;
	v4 =	vld.idx.msk [tilespmem:v7+s3+$0x0], $0xffff;
	[tilespmem:s1+$0xFFFFFFA0] =	vst v8  }
0x1f3: {  	[tilespmem:s1+$0xFFFFFFB0] =	vst v5  }
0x1f4: {  	[tilespmem:s1+$0xFFFFFFC0] =	vst v3  }
0x1f5: {  	[tilespmem:s1+$0xFFFFFFD0] =	vst v0  }
0x1f6: {  	[tilespmem:s1+$0xFFFFFFE0] =	vst v1  }
0x1f7: {  	s4 =	simm.s32 $0x1C780;
	[tilespmem:s1+$0xFFFFFFF0] =	vst v2  }
0x1f8: {  	s8 =	sadd.s32 $0x0, s16;
	s28 =	simm.s32 $0x1C880;
	[tilespmem:s1+$0xFFFFFF90] =	vst v4;
	s1 =	simm.s32 $0x80  }
.LBB2_40:
0x1f9: {  	[hbm4b:s8+s3] =	stream.linear.scatter [tilespmem:s4], [sflag:$0x3], $0x80, $0x38;
	[tilespmem:$0x1E700] =	vst v63  }
0x1fa: {  	s8 =	smov.u32 s1;
	s4 =	smov.u32 s28;
	p0 =	sne.s32 s1, $0xF80  }
.Ltmp19:
0x1fb: {  	s1 =	sadd.s32 $0x80, s1;
	(pc) =	sbr.rel @p0 .LBB2_40-.Ltmp19, $2  }
0x1fc: {  	_ =	sdelay $0x2  }
0x1fd: {  	s28 =	sadd.s32 $0x100, s28;
	s8 =	sadd.s32 s8, s16  }
0x1fe: {  	[hbm4b:s8+s3] =	stream.linear.scatter [tilespmem:s4], [sflag:$0x3], $0x80, $0x38;
	[tilespmem:$0x1E700] =	vst v63  }
0x1ff: {  	_ =	swait.ge [sflag:s31], $0x1000  }
0x200: {  	[sflag:s31] =	ssyncset.done $0x0  }
0x201: {  	s1 =	simm.s32 $0x1A770;
	[sflag:s31] =	ssyncadd.s32 $0xFFFFF000  }
0x202: {  	v0 =	vld [tilespmem:s1+$0x0]  }
0x203: {  	v1 =	vld [tilespmem:s1+$0xFFFFFFA0]  }
0x204: {  	v2 =	vld [tilespmem:s1+$0xFFFFFFB0]  }
0x205: {  	v3 =	vld [tilespmem:s1+$0xFFFFFFC0]  }
0x206: {  	v4 =	vld [tilespmem:s1+$0xFFFFFFD0]  }
0x207: {  	v6 =	vld [tilespmem:s1+$0xFFFFFFE0]  }
0x208: {  	v7 =	vld [tilespmem:s1+$0xFFFFFFF0]  }
0x209: {  	v8 =	vld [tilespmem:s1+$0xFFFFFF90]  }
0x20a: {  	v9 =	vld.idx.msk [tilespmem:v0+s3+$0x0], $0xffff  }
0x20b: {  	v10 =	vld.idx.msk [tilespmem:v1+s3+$0x0], $0xffff  }
0x20c: {  	v5 =	vld.idx.msk [tilespmem:v2+s3+$0x0], $0xffff  }
0x20d: {  	v3 =	vld.idx.msk [tilespmem:v3+s3+$0x0], $0xffff  }
0x20e: {  	v0 =	vld.idx.msk [tilespmem:v4+s3+$0x0], $0xffff  }
0x20f: {  	s1 =	simm.s32 $0x1C740;
	v1 =	vld.idx.msk [tilespmem:v6+s3+$0x0], $0xffff  }
0x210: {  	v2 =	vld.idx.msk [tilespmem:v7+s3+$0x0], $0xffff;
	[tilespmem:s1+$0x30] =	vst v9  }
0x211: {  	s28 =	simm.s32 $0x0;
	s4 =	simm.s32 $0x1A7F0;
	v4 =	vld.idx.msk [tilespmem:v8+s3+$0x0], $0xffff;
	[tilespmem:s1+$0xFFFFFFD0] =	vst v10  }
.LBB2_42:
0x212: {  	v6 =	vld [tilespmem:s4+$0x0];
	s28 =	sadd.s32 $0x80, s28;
	[tilespmem:s1+$0xFFFFFFE0] =	vst v5  }
0x213: {  	v5 =	vld [tilespmem:s4+$0xFFFFFFA0];
	p0 =	slt.u32 s28, $0xF80;
	[tilespmem:s1+$0xFFFFFFF0] =	vst v3  }
0x214: {  	v3 =	vld [tilespmem:s4+$0xFFFFFFB0];
	[tilespmem:s1+$0x0] =	vst v0  }
0x215: {  	v0 =	vld [tilespmem:s4+$0xFFFFFFC0];
	[tilespmem:s1+$0x10] =	vst v1  }
0x216: {  	v1 =	vld [tilespmem:s4+$0xFFFFFFD0];
	[tilespmem:s1+$0x20] =	vst v2  }
0x217: {  	v2 =	vld [tilespmem:s4+$0xFFFFFFE0];
	[tilespmem:s1+$0xFFFFFFC0] =	vst v4  }
0x218: {  	v4 =	vld [tilespmem:s4+$0xFFFFFFF0]  }
0x219: {  	v7 =	vld [tilespmem:s4+$0xFFFFFF90]  }
0x21a: {  	v6 =	vld.idx.msk [tilespmem:v6+s3+$0x0], $0xffff  }
0x21b: {  	v8 =	vld.idx.msk [tilespmem:v5+s3+$0x0], $0xffff  }
0x21c: {  	v5 =	vld.idx.msk [tilespmem:v3+s3+$0x0], $0xffff  }
.Ltmp20:
0x21d: {  	v3 =	vld.idx.msk [tilespmem:v0+s3+$0x0], $0xffff;
	(pc) =	sbr.rel @p0 .LBB2_42-.Ltmp20, $4  }
0x21e: {  	v0 =	vld.idx.msk [tilespmem:v1+s3+$0x0], $0xffff  }
0x21f: {  	s1 =	sadd.s32 $0x100, s1;
	v1 =	vld.idx.msk [tilespmem:v2+s3+$0x0], $0xffff  }
0x220: {  	v2 =	vld.idx.msk [tilespmem:v4+s3+$0x0], $0xffff;
	[tilespmem:s1+$0x30] =	vst v6  }
0x221: {  	s4 =	sadd.s32 $0x80, s4;
	v4 =	vld.idx.msk [tilespmem:v7+s3+$0x0], $0xffff;
	[tilespmem:s1+$0xFFFFFFD0] =	vst v8  }
0x222: {  	[tilespmem:s1+$0xFFFFFFE0] =	vst v5  }
0x223: {  	[tilespmem:s1+$0xFFFFFFF0] =	vst v3  }
0x224: {  	[tilespmem:s1+$0x0] =	vst v0  }
0x225: {  	[tilespmem:s1+$0x10] =	vst v1  }
0x226: {  	s4 =	simm.s32 $0x1C700;
	[tilespmem:s1+$0x20] =	vst v2  }
0x227: {  	s8 =	sadd.s32 $0x0, s18;
	s28 =	simm.s32 $0x1C800;
	[tilespmem:s1+$0xFFFFFFC0] =	vst v4;
	s1 =	simm.s32 $0x80  }
.LBB2_44:
0x228: {  	[hbm4b:s8+s3] =	stream.linear.scatter [tilespmem:s4], [sflag:$0x2], $0x80, $0x38;
	[tilespmem:$0x1E700] =	vst v63  }
0x229: {  	s8 =	smov.u32 s1;
	s4 =	smov.u32 s28;
	p0 =	sne.s32 s1, $0xF80  }
.Ltmp21:
0x22a: {  	s1 =	sadd.s32 $0x80, s1;
	(pc) =	sbr.rel @p0 .LBB2_44-.Ltmp21, $2  }
0x22b: {  	_ =	sdelay $0x2  }
0x22c: {  	s28 =	sadd.s32 $0x100, s28;
	s8 =	sadd.s32 s8, s18  }
0x22d: {  	[hbm4b:s8+s3] =	stream.linear.scatter [tilespmem:s4], [sflag:$0x2], $0x80, $0x38;
	[tilespmem:$0x1E700] =	vst v63  }
0x22e: {  	_ =	swait.ge [sflag:s0], $0x1000  }
0x22f: {  	[sflag:s0] =	ssyncset.done $0x0  }
0x230: {  	s1 =	simm.s32 $0x1B770;
	[sflag:s0] =	ssyncadd.s32 $0xFFFFF000  }
0x231: {  	v0 =	vld [tilespmem:s1+$0x0]  }
0x232: {  	v1 =	vld [tilespmem:s1+$0xFFFFFFA0]  }
0x233: {  	v2 =	vld [tilespmem:s1+$0xFFFFFFB0]  }
0x234: {  	v3 =	vld [tilespmem:s1+$0xFFFFFFC0]  }
0x235: {  	v4 =	vld [tilespmem:s1+$0xFFFFFFD0]  }
0x236: {  	v6 =	vld [tilespmem:s1+$0xFFFFFFE0]  }
0x237: {  	v7 =	vld [tilespmem:s1+$0xFFFFFFF0]  }
0x238: {  	v8 =	vld [tilespmem:s1+$0xFFFFFF90]  }
0x239: {  	v9 =	vld.idx.msk [tilespmem:v0+s3+$0x0], $0xffff  }
0x23a: {  	v10 =	vld.idx.msk [tilespmem:v1+s3+$0x0], $0xffff  }
0x23b: {  	v5 =	vld.idx.msk [tilespmem:v2+s3+$0x0], $0xffff  }
0x23c: {  	v3 =	vld.idx.msk [tilespmem:v3+s3+$0x0], $0xffff  }
0x23d: {  	v0 =	vld.idx.msk [tilespmem:v4+s3+$0x0], $0xffff  }
0x23e: {  	s1 =	simm.s32 $0x1C7F0;
	v1 =	vld.idx.msk [tilespmem:v6+s3+$0x0], $0xffff  }
0x23f: {  	v2 =	vld.idx.msk [tilespmem:v7+s3+$0x0], $0xffff;
	[tilespmem:s1+$0x0] =	vst v9  }
0x240: {  	s28 =	simm.s32 $0x0;
	s4 =	simm.s32 $0x1B7F0;
	v4 =	vld.idx.msk [tilespmem:v8+s3+$0x0], $0xffff;
	[tilespmem:s1+$0xFFFFFFA0] =	vst v10  }
.LBB2_46:
0x241: {  	v6 =	vld [tilespmem:s4+$0x0];
	s28 =	sadd.s32 $0x80, s28;
	[tilespmem:s1+$0xFFFFFFB0] =	vst v5  }
0x242: {  	v5 =	vld [tilespmem:s4+$0xFFFFFFA0];
	p0 =	slt.u32 s28, $0xF80;
	[tilespmem:s1+$0xFFFFFFC0] =	vst v3  }
0x243: {  	v3 =	vld [tilespmem:s4+$0xFFFFFFB0];
	[tilespmem:s1+$0xFFFFFFD0] =	vst v0  }
0x244: {  	v0 =	vld [tilespmem:s4+$0xFFFFFFC0];
	[tilespmem:s1+$0xFFFFFFE0] =	vst v1  }
0x245: {  	v1 =	vld [tilespmem:s4+$0xFFFFFFD0];
	[tilespmem:s1+$0xFFFFFFF0] =	vst v2  }
0x246: {  	v2 =	vld [tilespmem:s4+$0xFFFFFFE0];
	[tilespmem:s1+$0xFFFFFF90] =	vst v4  }
0x247: {  	v4 =	vld [tilespmem:s4+$0xFFFFFFF0]  }
0x248: {  	v7 =	vld [tilespmem:s4+$0xFFFFFF90]  }
0x249: {  	v6 =	vld.idx.msk [tilespmem:v6+s3+$0x0], $0xffff  }
0x24a: {  	v8 =	vld.idx.msk [tilespmem:v5+s3+$0x0], $0xffff  }
0x24b: {  	v5 =	vld.idx.msk [tilespmem:v3+s3+$0x0], $0xffff  }
.Ltmp22:
0x24c: {  	v3 =	vld.idx.msk [tilespmem:v0+s3+$0x0], $0xffff;
	(pc) =	sbr.rel @p0 .LBB2_46-.Ltmp22, $4  }
0x24d: {  	v0 =	vld.idx.msk [tilespmem:v1+s3+$0x0], $0xffff  }
0x24e: {  	s1 =	sadd.s32 $0x100, s1;
	v1 =	vld.idx.msk [tilespmem:v2+s3+$0x0], $0xffff  }
0x24f: {  	v2 =	vld.idx.msk [tilespmem:v4+s3+$0x0], $0xffff;
	[tilespmem:s1+$0x0] =	vst v6  }
0x250: {  	s4 =	sadd.s32 $0x80, s4;
	v4 =	vld.idx.msk [tilespmem:v7+s3+$0x0], $0xffff;
	[tilespmem:s1+$0xFFFFFFA0] =	vst v8  }
0x251: {  	[tilespmem:s1+$0xFFFFFFB0] =	vst v5  }
0x252: {  	[tilespmem:s1+$0xFFFFFFC0] =	vst v3  }
0x253: {  	[tilespmem:s1+$0xFFFFFFD0] =	vst v0  }
0x254: {  	[tilespmem:s1+$0xFFFFFFE0] =	vst v1  }
0x255: {  	[tilespmem:s1+$0xFFFFFFF0] =	vst v2  }
0x256: {  	s8 =	simm.s32 $0x0;
	s4 =	simm.s32 $0x80;
	[tilespmem:s1+$0xFFFFFF90] =	vst v4  }
0x257: {  	[tilespmem:s8], [sflag:$0x1] =	stream.strided.gather [hbm4b:s17+s25], $0x18700, s26, s25, $0x38;
	[tilespmem:$0x1E700] =	vst v63  }
0x258: {  	s28 =	simm.s32 $0x1C880;
	s1 =	simm.s32 $0x1C780;
	s8 =	sadd.s32 $0x0, s19  }
.LBB2_48:
0x259: {  	[hbm4b:s8+s3] =	stream.linear.scatter [tilespmem:s1], [sflag:$0x3], $0x80, $0x38;
	[tilespmem:$0x1E700] =	vst v63  }
0x25a: {  	s8 =	smov.u32 s4;
	s1 =	smov.u32 s28;
	p0 =	sne.s32 s4, $0xF80  }
.Ltmp23:
0x25b: {  	s4 =	sadd.s32 $0x80, s4;
	(pc) =	sbr.rel @p0 .LBB2_48-.Ltmp23, $2  }
0x25c: {  	_ =	sdelay $0x2  }
0x25d: {  	s28 =	sadd.s32 $0x100, s28;
	s8 =	sadd.s32 s8, s19  }
0x25e: {  	[hbm4b:s8+s3] =	stream.linear.scatter [tilespmem:s1], [sflag:$0x3], $0x80, $0x38;
	[tilespmem:$0x1E700] =	vst v63  }
0x25f: {  	_ =	swait.ge [sflag:s30], $0x18700  }
0x260: {  	[sflag:s30] =	ssyncset.done $0x0  }
0x261: {  	[sflag:s30] =	ssyncadd.s32 $0xFFFE7900  }
0x262: {  	_ =	swait.ge [sflag:s31], $0x1000  }
0x263: {  	[sflag:s31] =	ssyncset.done $0x0  }
0x264: {  	s8 =	simm.s32 $0x18740;
	[sflag:s31] =	ssyncadd.s32 $0xFFFFF000  }
0x265: {  	v0 =	vld [tilespmem:s8+$0x30]  }
0x266: {  	v1 =	vld [tilespmem:s8+$0xFFFFFFD0]  }
0x267: {  	v2 =	vld [tilespmem:s8+$0xFFFFFFE0]  }
0x268: {  	v3 =	vld [tilespmem:s8+$0xFFFFFFF0]  }
0x269: {  	v4 =	vld [tilespmem:s8+$0x0]  }
0x26a: {  	v6 =	vld [tilespmem:s8+$0x10]  }
0x26b: {  	v7 =	vld [tilespmem:s8+$0x20]  }
0x26c: {  	v8 =	vld [tilespmem:s8+$0xFFFFFFC0]  }
0x26d: {  	v9 =	vld.idx.msk [tilespmem:v0+s3+$0x0], $0xffff  }
0x26e: {  	v10 =	vld.idx.msk [tilespmem:v1+s3+$0x0], $0xffff  }
0x26f: {  	v5 =	vld.idx.msk [tilespmem:v2+s3+$0x0], $0xffff  }
0x270: {  	v3 =	vld.idx.msk [tilespmem:v3+s3+$0x0], $0xffff  }
0x271: {  	v0 =	vld.idx.msk [tilespmem:v4+s3+$0x0], $0xffff  }
0x272: {  	s1 =	simm.s32 $0x1C740;
	v1 =	vld.idx.msk [tilespmem:v6+s3+$0x0], $0xffff  }
0x273: {  	v2 =	vld.idx.msk [tilespmem:v7+s3+$0x0], $0xffff;
	[tilespmem:s1+$0x30] =	vst v9  }
0x274: {  	s28 =	simm.s32 $0x0;
	s4 =	simm.s32 $0x187C0;
	v4 =	vld.idx.msk [tilespmem:v8+s3+$0x0], $0xffff;
	[tilespmem:s1+$0xFFFFFFD0] =	vst v10  }
.LBB2_50:
0x275: {  	v6 =	vld [tilespmem:s4+$0x30];
	s28 =	sadd.s32 $0x80, s28;
	[tilespmem:s1+$0xFFFFFFE0] =	vst v5  }
0x276: {  	v5 =	vld [tilespmem:s4+$0xFFFFFFD0];
	p0 =	slt.u32 s28, $0xF80;
	[tilespmem:s1+$0xFFFFFFF0] =	vst v3  }
0x277: {  	v3 =	vld [tilespmem:s4+$0xFFFFFFE0];
	[tilespmem:s1+$0x0] =	vst v0  }
0x278: {  	v0 =	vld [tilespmem:s4+$0xFFFFFFF0];
	[tilespmem:s1+$0x10] =	vst v1  }
0x279: {  	v1 =	vld [tilespmem:s4+$0x0];
	[tilespmem:s1+$0x20] =	vst v2  }
0x27a: {  	v2 =	vld [tilespmem:s4+$0x10];
	[tilespmem:s1+$0xFFFFFFC0] =	vst v4  }
0x27b: {  	v4 =	vld [tilespmem:s4+$0x20]  }
0x27c: {  	v7 =	vld [tilespmem:s4+$0xFFFFFFC0]  }
0x27d: {  	v6 =	vld.idx.msk [tilespmem:v6+s3+$0x0], $0xffff  }
0x27e: {  	v8 =	vld.idx.msk [tilespmem:v5+s3+$0x0], $0xffff  }
0x27f: {  	v5 =	vld.idx.msk [tilespmem:v3+s3+$0x0], $0xffff  }
.Ltmp24:
0x280: {  	v3 =	vld.idx.msk [tilespmem:v0+s3+$0x0], $0xffff;
	(pc) =	sbr.rel @p0 .LBB2_50-.Ltmp24, $4  }
0x281: {  	v0 =	vld.idx.msk [tilespmem:v1+s3+$0x0], $0xffff  }
0x282: {  	s1 =	sadd.s32 $0x100, s1;
	v1 =	vld.idx.msk [tilespmem:v2+s3+$0x0], $0xffff  }
0x283: {  	v2 =	vld.idx.msk [tilespmem:v4+s3+$0x0], $0xffff;
	[tilespmem:s1+$0x30] =	vst v6  }
0x284: {  	s4 =	sadd.s32 $0x80, s4;
	v4 =	vld.idx.msk [tilespmem:v7+s3+$0x0], $0xffff;
	[tilespmem:s1+$0xFFFFFFD0] =	vst v8  }
0x285: {  	[tilespmem:s1+$0xFFFFFFE0] =	vst v5  }
0x286: {  	[tilespmem:s1+$0xFFFFFFF0] =	vst v3  }
0x287: {  	[tilespmem:s1+$0x0] =	vst v0  }
0x288: {  	[tilespmem:s1+$0x10] =	vst v1  }
0x289: {  	s4 =	simm.s32 $0x1C700;
	[tilespmem:s1+$0x20] =	vst v2  }
0x28a: {  	s8 =	sadd.s32 $0x0, s20;
	s28 =	simm.s32 $0x1C800;
	[tilespmem:s1+$0xFFFFFFC0] =	vst v4;
	s1 =	simm.s32 $0x80  }
.LBB2_52:
0x28b: {  	[hbm4b:s8+s3] =	stream.linear.scatter [tilespmem:s4], [sflag:$0x2], $0x80, $0x38;
	[tilespmem:$0x1E700] =	vst v63  }
0x28c: {  	s8 =	smov.u32 s1;
	s4 =	smov.u32 s28;
	p0 =	sne.s32 s1, $0xF80  }
.Ltmp25:
0x28d: {  	s1 =	sadd.s32 $0x80, s1;
	(pc) =	sbr.rel @p0 .LBB2_52-.Ltmp25, $2  }
0x28e: {  	_ =	sdelay $0x2  }
0x28f: {  	s28 =	sadd.s32 $0x100, s28;
	s8 =	sadd.s32 s8, s20  }
0x290: {  	[hbm4b:s8+s3] =	stream.linear.scatter [tilespmem:s4], [sflag:$0x2], $0x80, $0x38;
	[tilespmem:$0x1E700] =	vst v63  }
0x291: {  	_ =	swait.ge [sflag:s0], $0x1000  }
0x292: {  	[sflag:s0] =	ssyncset.done $0x0  }
0x293: {  	s1 =	simm.s32 $0x19770;
	[sflag:s0] =	ssyncadd.s32 $0xFFFFF000  }
0x294: {  	v0 =	vld [tilespmem:s1+$0x0]  }
0x295: {  	v1 =	vld [tilespmem:s1+$0xFFFFFFA0]  }
0x296: {  	v2 =	vld [tilespmem:s1+$0xFFFFFFB0]  }
0x297: {  	v3 =	vld [tilespmem:s1+$0xFFFFFFC0]  }
0x298: {  	v4 =	vld [tilespmem:s1+$0xFFFFFFD0]  }
0x299: {  	v6 =	vld [tilespmem:s1+$0xFFFFFFE0]  }
0x29a: {  	v7 =	vld [tilespmem:s1+$0xFFFFFFF0]  }
0x29b: {  	v8 =	vld [tilespmem:s1+$0xFFFFFF90]  }
0x29c: {  	v9 =	vld.idx.msk [tilespmem:v0+s3+$0x0], $0xffff  }
0x29d: {  	v10 =	vld.idx.msk [tilespmem:v1+s3+$0x0], $0xffff  }
0x29e: {  	v5 =	vld.idx.msk [tilespmem:v2+s3+$0x0], $0xffff  }
0x29f: {  	v3 =	vld.idx.msk [tilespmem:v3+s3+$0x0], $0xffff  }
0x2a0: {  	v0 =	vld.idx.msk [tilespmem:v4+s3+$0x0], $0xffff  }
0x2a1: {  	s1 =	simm.s32 $0x1C7F0;
	v1 =	vld.idx.msk [tilespmem:v6+s3+$0x0], $0xffff  }
0x2a2: {  	v2 =	vld.idx.msk [tilespmem:v7+s3+$0x0], $0xffff;
	[tilespmem:s1+$0x0] =	vst v9  }
0x2a3: {  	s28 =	simm.s32 $0x0;
	s4 =	simm.s32 $0x197F0;
	v4 =	vld.idx.msk [tilespmem:v8+s3+$0x0], $0xffff;
	[tilespmem:s1+$0xFFFFFFA0] =	vst v10  }
.LBB2_54:
0x2a4: {  	v6 =	vld [tilespmem:s4+$0x0];
	s28 =	sadd.s32 $0x80, s28;
	[tilespmem:s1+$0xFFFFFFB0] =	vst v5  }
0x2a5: {  	v5 =	vld [tilespmem:s4+$0xFFFFFFA0];
	p0 =	slt.u32 s28, $0xF80;
	[tilespmem:s1+$0xFFFFFFC0] =	vst v3  }
0x2a6: {  	v3 =	vld [tilespmem:s4+$0xFFFFFFB0];
	[tilespmem:s1+$0xFFFFFFD0] =	vst v0  }
0x2a7: {  	v0 =	vld [tilespmem:s4+$0xFFFFFFC0];
	[tilespmem:s1+$0xFFFFFFE0] =	vst v1  }
0x2a8: {  	v1 =	vld [tilespmem:s4+$0xFFFFFFD0];
	[tilespmem:s1+$0xFFFFFFF0] =	vst v2  }
0x2a9: {  	v2 =	vld [tilespmem:s4+$0xFFFFFFE0];
	[tilespmem:s1+$0xFFFFFF90] =	vst v4  }
0x2aa: {  	v4 =	vld [tilespmem:s4+$0xFFFFFFF0]  }
0x2ab: {  	v7 =	vld [tilespmem:s4+$0xFFFFFF90]  }
0x2ac: {  	v6 =	vld.idx.msk [tilespmem:v6+s3+$0x0], $0xffff  }
0x2ad: {  	v8 =	vld.idx.msk [tilespmem:v5+s3+$0x0], $0xffff  }
0x2ae: {  	v5 =	vld.idx.msk [tilespmem:v3+s3+$0x0], $0xffff  }
.Ltmp26:
0x2af: {  	v3 =	vld.idx.msk [tilespmem:v0+s3+$0x0], $0xffff;
	(pc) =	sbr.rel @p0 .LBB2_54-.Ltmp26, $4  }
0x2b0: {  	v0 =	vld.idx.msk [tilespmem:v1+s3+$0x0], $0xffff  }
0x2b1: {  	s1 =	sadd.s32 $0x100, s1;
	v1 =	vld.idx.msk [tilespmem:v2+s3+$0x0], $0xffff  }
0x2b2: {  	v2 =	vld.idx.msk [tilespmem:v4+s3+$0x0], $0xffff;
	[tilespmem:s1+$0x0] =	vst v6  }
0x2b3: {  	s4 =	sadd.s32 $0x80, s4;
	v4 =	vld.idx.msk [tilespmem:v7+s3+$0x0], $0xffff;
	[tilespmem:s1+$0xFFFFFFA0] =	vst v8  }
0x2b4: {  	[tilespmem:s1+$0xFFFFFFB0] =	vst v5  }
0x2b5: {  	[tilespmem:s1+$0xFFFFFFC0] =	vst v3  }
0x2b6: {  	[tilespmem:s1+$0xFFFFFFD0] =	vst v0  }
0x2b7: {  	[tilespmem:s1+$0xFFFFFFE0] =	vst v1  }
0x2b8: {  	s4 =	simm.s32 $0x1C780;
	[tilespmem:s1+$0xFFFFFFF0] =	vst v2  }
0x2b9: {  	s8 =	sadd.s32 $0x0, s21;
	s28 =	simm.s32 $0x1C880;
	[tilespmem:s1+$0xFFFFFF90] =	vst v4;
	s1 =	simm.s32 $0x80  }
.LBB2_56:
0x2ba: {  	[hbm4b:s8+s3] =	stream.linear.scatter [tilespmem:s4], [sflag:$0x3], $0x80, $0x38;
	[tilespmem:$0x1E700] =	vst v63  }
0x2bb: {  	s8 =	smov.u32 s1;
	s4 =	smov.u32 s28;
	p0 =	sne.s32 s1, $0xF80  }
.Ltmp27:
0x2bc: {  	s1 =	sadd.s32 $0x80, s1;
	(pc) =	sbr.rel @p0 .LBB2_56-.Ltmp27, $2  }
0x2bd: {  	_ =	sdelay $0x2  }
0x2be: {  	s28 =	sadd.s32 $0x100, s28;
	s8 =	sadd.s32 s8, s21  }
0x2bf: {  	[hbm4b:s8+s3] =	stream.linear.scatter [tilespmem:s4], [sflag:$0x3], $0x80, $0x38;
	[tilespmem:$0x1E700] =	vst v63  }
0x2c0: {  	_ =	swait.ge [sflag:s31], $0x1000  }
0x2c1: {  	[sflag:s31] =	ssyncset.done $0x0  }
0x2c2: {  	s1 =	simm.s32 $0x1A770;
	[sflag:s31] =	ssyncadd.s32 $0xFFFFF000  }
0x2c3: {  	v0 =	vld [tilespmem:s1+$0x0]  }
0x2c4: {  	v1 =	vld [tilespmem:s1+$0xFFFFFFA0]  }
0x2c5: {  	v2 =	vld [tilespmem:s1+$0xFFFFFFB0]  }
0x2c6: {  	v3 =	vld [tilespmem:s1+$0xFFFFFFC0]  }
0x2c7: {  	v4 =	vld [tilespmem:s1+$0xFFFFFFD0]  }
0x2c8: {  	v6 =	vld [tilespmem:s1+$0xFFFFFFE0]  }
0x2c9: {  	v7 =	vld [tilespmem:s1+$0xFFFFFFF0]  }
0x2ca: {  	v8 =	vld [tilespmem:s1+$0xFFFFFF90]  }
0x2cb: {  	v9 =	vld.idx.msk [tilespmem:v0+s3+$0x0], $0xffff  }
0x2cc: {  	v10 =	vld.idx.msk [tilespmem:v1+s3+$0x0], $0xffff  }
0x2cd: {  	v5 =	vld.idx.msk [tilespmem:v2+s3+$0x0], $0xffff  }
0x2ce: {  	v3 =	vld.idx.msk [tilespmem:v3+s3+$0x0], $0xffff  }
0x2cf: {  	v0 =	vld.idx.msk [tilespmem:v4+s3+$0x0], $0xffff  }
0x2d0: {  	s1 =	simm.s32 $0x1C740;
	v1 =	vld.idx.msk [tilespmem:v6+s3+$0x0], $0xffff  }
0x2d1: {  	v2 =	vld.idx.msk [tilespmem:v7+s3+$0x0], $0xffff;
	[tilespmem:s1+$0x30] =	vst v9  }
0x2d2: {  	s28 =	simm.s32 $0x0;
	s4 =	simm.s32 $0x1A7F0;
	v4 =	vld.idx.msk [tilespmem:v8+s3+$0x0], $0xffff;
	[tilespmem:s1+$0xFFFFFFD0] =	vst v10  }
.LBB2_58:
0x2d3: {  	v6 =	vld [tilespmem:s4+$0x0];
	s28 =	sadd.s32 $0x80, s28;
	[tilespmem:s1+$0xFFFFFFE0] =	vst v5  }
0x2d4: {  	v5 =	vld [tilespmem:s4+$0xFFFFFFA0];
	p0 =	slt.u32 s28, $0xF80;
	[tilespmem:s1+$0xFFFFFFF0] =	vst v3  }
0x2d5: {  	v3 =	vld [tilespmem:s4+$0xFFFFFFB0];
	[tilespmem:s1+$0x0] =	vst v0  }
0x2d6: {  	v0 =	vld [tilespmem:s4+$0xFFFFFFC0];
	[tilespmem:s1+$0x10] =	vst v1  }
0x2d7: {  	v1 =	vld [tilespmem:s4+$0xFFFFFFD0];
	[tilespmem:s1+$0x20] =	vst v2  }
0x2d8: {  	v2 =	vld [tilespmem:s4+$0xFFFFFFE0];
	[tilespmem:s1+$0xFFFFFFC0] =	vst v4  }
0x2d9: {  	v4 =	vld [tilespmem:s4+$0xFFFFFFF0]  }
0x2da: {  	v7 =	vld [tilespmem:s4+$0xFFFFFF90]  }
0x2db: {  	v6 =	vld.idx.msk [tilespmem:v6+s3+$0x0], $0xffff  }
0x2dc: {  	v8 =	vld.idx.msk [tilespmem:v5+s3+$0x0], $0xffff  }
0x2dd: {  	v5 =	vld.idx.msk [tilespmem:v3+s3+$0x0], $0xffff  }
.Ltmp28:
0x2de: {  	v3 =	vld.idx.msk [tilespmem:v0+s3+$0x0], $0xffff;
	(pc) =	sbr.rel @p0 .LBB2_58-.Ltmp28, $4  }
0x2df: {  	v0 =	vld.idx.msk [tilespmem:v1+s3+$0x0], $0xffff  }
0x2e0: {  	s1 =	sadd.s32 $0x100, s1;
	v1 =	vld.idx.msk [tilespmem:v2+s3+$0x0], $0xffff  }
0x2e1: {  	v2 =	vld.idx.msk [tilespmem:v4+s3+$0x0], $0xffff;
	[tilespmem:s1+$0x30] =	vst v6  }
0x2e2: {  	s4 =	sadd.s32 $0x80, s4;
	v4 =	vld.idx.msk [tilespmem:v7+s3+$0x0], $0xffff;
	[tilespmem:s1+$0xFFFFFFD0] =	vst v8  }
0x2e3: {  	[tilespmem:s1+$0xFFFFFFE0] =	vst v5  }
0x2e4: {  	[tilespmem:s1+$0xFFFFFFF0] =	vst v3  }
0x2e5: {  	[tilespmem:s1+$0x0] =	vst v0  }
0x2e6: {  	[tilespmem:s1+$0x10] =	vst v1  }
0x2e7: {  	s4 =	simm.s32 $0x1C700;
	[tilespmem:s1+$0x20] =	vst v2  }
0x2e8: {  	s8 =	sadd.s32 $0x0, s22;
	s28 =	simm.s32 $0x1C800;
	[tilespmem:s1+$0xFFFFFFC0] =	vst v4;
	s1 =	simm.s32 $0x80  }
.LBB2_60:
0x2e9: {  	[hbm4b:s8+s3] =	stream.linear.scatter [tilespmem:s4], [sflag:$0x2], $0x80, $0x38;
	[tilespmem:$0x1E700] =	vst v63  }
0x2ea: {  	s8 =	smov.u32 s1;
	s4 =	smov.u32 s28;
	p0 =	sne.s32 s1, $0xF80  }
.Ltmp29:
0x2eb: {  	s1 =	sadd.s32 $0x80, s1;
	(pc) =	sbr.rel @p0 .LBB2_60-.Ltmp29, $2  }
0x2ec: {  	_ =	sdelay $0x2  }
0x2ed: {  	s28 =	sadd.s32 $0x100, s28;
	s8 =	sadd.s32 s8, s22  }
0x2ee: {  	[hbm4b:s8+s3] =	stream.linear.scatter [tilespmem:s4], [sflag:$0x2], $0x80, $0x38;
	[tilespmem:$0x1E700] =	vst v63  }
0x2ef: {  	_ =	swait.ge [sflag:s0], $0x1000  }
0x2f0: {  	[sflag:s0] =	ssyncset.done $0x0  }
0x2f1: {  	s1 =	simm.s32 $0x1B770;
	[sflag:s0] =	ssyncadd.s32 $0xFFFFF000  }
0x2f2: {  	v0 =	vld [tilespmem:s1+$0x0]  }
0x2f3: {  	v1 =	vld [tilespmem:s1+$0xFFFFFFA0]  }
0x2f4: {  	v2 =	vld [tilespmem:s1+$0xFFFFFFB0]  }
0x2f5: {  	v3 =	vld [tilespmem:s1+$0xFFFFFFC0]  }
0x2f6: {  	v4 =	vld [tilespmem:s1+$0xFFFFFFD0]  }
0x2f7: {  	v6 =	vld [tilespmem:s1+$0xFFFFFFE0]  }
0x2f8: {  	v7 =	vld [tilespmem:s1+$0xFFFFFFF0]  }
0x2f9: {  	v8 =	vld [tilespmem:s1+$0xFFFFFF90]  }
0x2fa: {  	v9 =	vld.idx.msk [tilespmem:v0+s3+$0x0], $0xffff  }
0x2fb: {  	v10 =	vld.idx.msk [tilespmem:v1+s3+$0x0], $0xffff  }
0x2fc: {  	v5 =	vld.idx.msk [tilespmem:v2+s3+$0x0], $0xffff  }
0x2fd: {  	v3 =	vld.idx.msk [tilespmem:v3+s3+$0x0], $0xffff  }
0x2fe: {  	v0 =	vld.idx.msk [tilespmem:v4+s3+$0x0], $0xffff  }
0x2ff: {  	s1 =	simm.s32 $0x1C7F0;
	v1 =	vld.idx.msk [tilespmem:v6+s3+$0x0], $0xffff  }
0x300: {  	v2 =	vld.idx.msk [tilespmem:v7+s3+$0x0], $0xffff;
	[tilespmem:s1+$0x0] =	vst v9  }
0x301: {  	s28 =	simm.s32 $0x0;
	s4 =	simm.s32 $0x1B7F0;
	v4 =	vld.idx.msk [tilespmem:v8+s3+$0x0], $0xffff;
	[tilespmem:s1+$0xFFFFFFA0] =	vst v10  }
.LBB2_62:
0x302: {  	v6 =	vld [tilespmem:s4+$0x0];
	s28 =	sadd.s32 $0x80, s28;
	[tilespmem:s1+$0xFFFFFFB0] =	vst v5  }
0x303: {  	v5 =	vld [tilespmem:s4+$0xFFFFFFA0];
	p0 =	slt.u32 s28, $0xF80;
	[tilespmem:s1+$0xFFFFFFC0] =	vst v3  }
0x304: {  	v3 =	vld [tilespmem:s4+$0xFFFFFFB0];
	[tilespmem:s1+$0xFFFFFFD0] =	vst v0  }
0x305: {  	v0 =	vld [tilespmem:s4+$0xFFFFFFC0];
	[tilespmem:s1+$0xFFFFFFE0] =	vst v1  }
0x306: {  	v1 =	vld [tilespmem:s4+$0xFFFFFFD0];
	[tilespmem:s1+$0xFFFFFFF0] =	vst v2  }
0x307: {  	v2 =	vld [tilespmem:s4+$0xFFFFFFE0];
	[tilespmem:s1+$0xFFFFFF90] =	vst v4  }
0x308: {  	v4 =	vld [tilespmem:s4+$0xFFFFFFF0]  }
0x309: {  	v7 =	vld [tilespmem:s4+$0xFFFFFF90]  }
0x30a: {  	v6 =	vld.idx.msk [tilespmem:v6+s3+$0x0], $0xffff  }
0x30b: {  	v8 =	vld.idx.msk [tilespmem:v5+s3+$0x0], $0xffff  }
0x30c: {  	v5 =	vld.idx.msk [tilespmem:v3+s3+$0x0], $0xffff  }
.Ltmp30:
0x30d: {  	v3 =	vld.idx.msk [tilespmem:v0+s3+$0x0], $0xffff;
	(pc) =	sbr.rel @p0 .LBB2_62-.Ltmp30, $4  }
0x30e: {  	v0 =	vld.idx.msk [tilespmem:v1+s3+$0x0], $0xffff  }
0x30f: {  	s1 =	sadd.s32 $0x100, s1;
	v1 =	vld.idx.msk [tilespmem:v2+s3+$0x0], $0xffff  }
0x310: {  	v2 =	vld.idx.msk [tilespmem:v4+s3+$0x0], $0xffff;
	[tilespmem:s1+$0x0] =	vst v6  }
0x311: {  	s4 =	sadd.s32 $0x80, s4;
	v4 =	vld.idx.msk [tilespmem:v7+s3+$0x0], $0xffff;
	[tilespmem:s1+$0xFFFFFFA0] =	vst v8  }
0x312: {  	[tilespmem:s1+$0xFFFFFFB0] =	vst v5  }
0x313: {  	[tilespmem:s1+$0xFFFFFFC0] =	vst v3  }
0x314: {  	[tilespmem:s1+$0xFFFFFFD0] =	vst v0  }
0x315: {  	[tilespmem:s1+$0xFFFFFFE0] =	vst v1  }
0x316: {  	s4 =	simm.s32 $0x1C780;
	[tilespmem:s1+$0xFFFFFFF0] =	vst v2  }
0x317: {  	s8 =	sadd.s32 $0x0, s23;
	s28 =	simm.s32 $0x1C880;
	[tilespmem:s1+$0xFFFFFF90] =	vst v4;
	s1 =	simm.s32 $0x80  }
.LBB2_64:
0x318: {  	[hbm4b:s8+s3] =	stream.linear.scatter [tilespmem:s4], [sflag:$0x3], $0x80, $0x38;
	[tilespmem:$0x1E700] =	vst v63  }
0x319: {  	s8 =	smov.u32 s1;
	s4 =	smov.u32 s28;
	p0 =	sne.s32 s1, $0xF80  }
.Ltmp31:
0x31a: {  	s1 =	sadd.s32 $0x80, s1;
	(pc) =	sbr.rel @p0 .LBB2_64-.Ltmp31, $2  }
0x31b: {  	_ =	sdelay $0x2  }
0x31c: {  	s28 =	sadd.s32 $0x100, s28;
	s8 =	sadd.s32 s8, s23  }
0x31d: {  	[hbm4b:s8+s3] =	stream.linear.scatter [tilespmem:s4], [sflag:$0x3], $0x80, $0x38;
	[tilespmem:$0x1E700] =	vst v63  }
0x31e: {  	s2 =	sadd.s32 $0x1, s2  }
0x31f: {  	_ =	swait.ge [sflag:s31], $0x1000;
	p0 =	sne.s32 s2, s24  }
.Ltmp32:
0x320: {  	[sflag:s31] =	ssyncset.done $0x0;
	(pc) =	sbr.rel @p0 .LBB2_1-.Ltmp32, $4  }
0x321: {  	[sflag:s31] =	ssyncadd.s32 $0xFFFFF000  }
0x322: {  	_ =	swait.ge [sflag:s0], $0x1000  }
0x323: {  	[sflag:s0] =	ssyncset.done $0x0  }
0x324: {  	[sflag:s0] =	ssyncadd.s32 $0xFFFFF000  }
0x325: {  	_ =	sfence.sel $0x180000  }
0x326: {  	[bflag:$0x0] =	sbarrier.arrive $0xFFFF  }
0x327: {  	_ =	strace $0x90000047  }
0x328: {  	s0 =	stileid.u32;
	[bflag:$0x2] =	sbarrier.arrive $0xFFFF  }
0x329: {  	p0 =	sne.s32 s0, $0x0;
	s0 =	rddreg [dreg:$0x4]  }
0x32a: {  	s0 =	sadd.s32 @!p0 $0x100000, s0  }
0x32b: {  	[sflag:s0] =	ssyncadd.tile.s32 @!p0 $0x1;
	_ =	shalt  }
.Lfunc_end2:
_tile_overlayer_lowered:
.L_overlay_start_2:
0x32c: {  	(tag) =	ssettag $0x2  }
0x32d: {  	s0 =	rddreg [dreg:$0x0];
	s2 =	stileid.u32  }
0x32e: {  	s1 =	rddreg [dreg:$0x1];
	p0 =	sne.s32 s2, $0x0  }
0x32f: {  	s3 =	rddreg [dreg:$0x2];
	[bflag:$0x3] =	sbarrier.arrive $0xFFFF;
	s2 =	simm.s32 @!p0 $0x1C04  }
0x330: {  	[timem:s3], [sflag:s2] =	dma.local @!p0 [hbm:s0], s1  }
0x331: {  	s0 =	simm.s32 @!p0 $0x4  }
0x332: {  	_ =	swait.ge @!p0 [sflag:s0], s1  }
0x333: {  	s1 =	ssub.s32 @!p0 $0x0, s1;
	[sflag:s0] =	ssyncset.done @!p0 $0x0  }
0x334: {  	[sflag:s0] =	ssyncadd.s32 @!p0 s1  }
0x335: {  	[bflag:$0x3] =	sbarrier.arrive $0xFFFF  }
0x336: {  	_ =	shalt  }

</sc_bundles>
